<compile_context>
chip_gen: v7x
topology: tpu7x:2x2x1
jax: 0.10.2.dev20260603
libtpu: 0.0.44.dev20260713+nightly
codegen_flags: <defaults>
</compile_context>

<pallas_src>
import functools

import jax
import jax.numpy as jnp
from jax import lax
from jax.experimental import pallas as pl
from jax.experimental.pallas import tpu as pltpu
from jax.experimental.pallas import tpu_sc as plsc

_NC = 2
_NS = 16
_NW = _NC * _NS

_K = 8
_NBUF = 4


@functools.cache
def _build(NB, NS_SEQ, V, D):
    B = NB * NS_SEQ
    b_per_w = B // _NW
    tiles_per_batch = _NW // NB
    n_chunks = b_per_w // _K
    mesh = plsc.VectorSubcoreMesh(core_axis_name="c", subcore_axis_name="s")

    @functools.partial(
        pl.kernel,
        mesh=mesh,
        out_type=jax.ShapeDtypeStruct((B, D), jnp.float32),
        scratch_types=[
            pltpu.VMEM((b_per_w,), jnp.int32),
            pltpu.VMEM((_NBUF, _K, D), jnp.float32),
        ] + [pltpu.SemaphoreType.DMA] * _NBUF,
    )
    def emb(table_hbm, idx_hbm, out_hbm, idx_v, buf, *gsems):
        wid = lax.axis_index("s") * _NC + lax.axis_index("c")
        base = wid * b_per_w
        batch = wid // tiles_per_batch
        col0 = (wid % tiles_per_batch) * b_per_w
        pltpu.sync_copy(idx_hbm.at[batch, pl.ds(col0, b_per_w)], idx_v)
        for b in range(_NBUF):
            pltpu.async_copy(
                table_hbm.at[idx_v.at[pl.ds(b * _K, _K)]], buf.at[b], gsems[b]
            )

        def group(g, carry):
            for b in range(_NBUF):
                j = g * _NBUF + b
                pltpu.make_async_copy(
                    table_hbm.at[idx_v.at[pl.ds(j * _K, _K)]], buf.at[b], gsems[b]
                ).wait()
                pltpu.sync_copy(buf.at[b], out_hbm.at[pl.ds(base + j * _K, _K)])
                nj = j + _NBUF

                @pl.when(nj < n_chunks)
                def _():
                    pltpu.async_copy(
                        table_hbm.at[idx_v.at[pl.ds(nj * _K, _K)]],
                        buf.at[b],
                        gsems[b],
                    )
            return carry

        lax.fori_loop(0, n_chunks // _NBUF, group, 0)

    return emb


def kernel(position_ids, table):
    nb, ns = position_ids.shape
    V, D = table.shape
    idx = position_ids.astype(jnp.int32)
    out = _build(nb, ns, V, D)(table, idx)
    return out.reshape(nb, ns, D)

# --- scband reference (transcript-rebuilt; emitter-appended) ---
"""Pipeline reference for scband-learned-positional-embedding-50130858279280 (READ-ONLY COPY).

The authoritative reference and input builder live on the scoring server;
editing this copy changes nothing except your own understanding.
"""

import jax, jax.numpy as jnp
import numpy as np

MAX_POS = 8192
HIDDEN = 2048
BATCH = 4
SEQ = 4096

def setup_inputs(seed: int = 0) -> dict:
    key = jax.random.key(seed)
    k1, k2 = jax.random.split(key)
    position_ids = jax.random.randint(k1, (BATCH, SEQ), 0, MAX_POS, dtype=jnp.int64 if jax.config.jax_enable_x64 else jnp.int32)
    table = jax.random.normal(k2, (MAX_POS, HIDDEN), dtype=jnp.float32)
    return {"position_ids": position_ids, "table": table}

def reference(position_ids, table):
    # Embedding lookup: nn.Embedding(max_position_embeddings, hidden_size)(position_ids)
    embeddings = jnp.take(table, position_ids, axis=0)
    # Dropout is identity in eval/inference mode
    return embeddings

if __name__ == "__main__":
    import jax
    _d = setup_inputs()
    print(jax.jit(kernel)(*tuple(_d.values())))

</pallas_src>

<mosaic_0001>
#map = affine_map<(d0, d1) -> (0, 0)>
module attributes {stable_mosaic.version = 14 : i64} {
  func.func @emb(%arg0: i32, %arg1: i32, %arg2: memref<8192x2048xf32, #tpu.memory_space<hbm>>, %arg3: memref<4x4096xi32, #tpu.memory_space<hbm>>, %arg4: memref<16384x2048xf32, #tpu.memory_space<hbm>>, %arg5: memref<512xi32, #tpu.memory_space<vmem>>, %arg6: memref<4x8x2048xf32, #tpu.memory_space<vmem>>, %arg7: memref<!tpu.dma_semaphore, #tpu.memory_space<semaphore_mem>>, %arg8: memref<!tpu.dma_semaphore, #tpu.memory_space<semaphore_mem>>, %arg9: memref<!tpu.dma_semaphore, #tpu.memory_space<semaphore_mem>>, %arg10: memref<!tpu.dma_semaphore, #tpu.memory_space<semaphore_mem>>) attributes {dimension_semantics = [#tpu.dimension_semantics<core_parallel>, #tpu.dimension_semantics<subcore_parallel>], iteration_bounds = array<i64: 2, 16>, scalar_prefetch = 0 : i64, scratch_operands = 6 : i64, tpu.core_type = #tpu.core_type<sc_vector_subcore>, window_params = [{transform_indices = #map}, {transform_indices = #map}, {transform_indices = #map}]} {
    %mul3A = arith.constant 2 : i32
    %mul3A_0 = arith.muli %arg1, %mul3A : i32
    %add3A = arith.addi %mul3A_0, %arg0 : i32
    %mul3A_1 = arith.constant 512 : i32
    %mul3A_2 = arith.muli %add3A, %mul3A_1 : i32
    %jit3A = arith.constant 8 : i32
    %div3A = arith.divsi %add3A, %jit3A : i32
    %sign3A = arith.constant 0 : i32
    %sign3A_3 = arith.cmpi sgt, %add3A, %sign3A : i32
    %sign3A_4 = arith.extui %sign3A_3 : i1 to i32
    %sign3A_5 = arith.constant 0 : i32
    %sign3A_6 = arith.cmpi slt, %add3A, %sign3A_5 : i32
    %sign3A_7 = arith.extui %sign3A_6 : i1 to i32
    %sign3A_8 = arith.subi %sign3A_4, %sign3A_7 : i32
    %sign3A_9 = arith.constant 0 : i32
    %sign3A_10 = arith.cmpi sgt, %jit3A, %sign3A_9 : i32
    %sign3A_11 = arith.extui %sign3A_10 : i1 to i32
    %sign3A_12 = arith.constant 0 : i32
    %sign3A_13 = arith.cmpi slt, %jit3A, %sign3A_12 : i32
    %sign3A_14 = arith.extui %sign3A_13 : i1 to i32
    %sign3A_15 = arith.subi %sign3A_11, %sign3A_14 : i32
    %ne3A = arith.cmpi ne, %sign3A_8, %sign3A_15 : i32
    %rem3A = arith.remsi %add3A, %jit3A : i32
    %ne3A_16 = arith.constant 0 : i32
    %ne3A_17 = arith.cmpi ne, %rem3A, %ne3A_16 : i32
    %and3A = arith.andi %ne3A, %ne3A_17 : i1
    %sub3A = arith.constant 1 : i32
    %sub3A_18 = arith.subi %div3A, %sub3A : i32
    %select_n3A = arith.select %and3A, %sub3A_18, %div3A : i32
    %jit3A_19 = arith.constant 8 : i32
    %eq3A = arith.constant 0 : i32
    %eq3A_20 = arith.cmpi eq, %jit3A_19, %eq3A : i32
    %jit3A_21 = arith.constant 1 : i32
    %select_n3A_22 = arith.select %eq3A_20, %jit3A_21, %jit3A_19 : i32
    %rem3A_23 = arith.remsi %add3A, %select_n3A_22 : i32
    %ne3A_24 = arith.constant 0 : i32
    %ne3A_25 = arith.cmpi ne, %rem3A_23, %ne3A_24 : i32
    %lt3A = arith.constant 0 : i32
    %lt3A_26 = arith.cmpi slt, %rem3A_23, %lt3A : i32
    %lt3A_27 = arith.constant 0 : i32
    %lt3A_28 = arith.cmpi slt, %select_n3A_22, %lt3A_27 : i32
    %ne3A_29 = arith.xori %lt3A_26, %lt3A_28 : i1
    %and3A_30 = arith.andi %ne3A_29, %ne3A_25 : i1
    %add3A_31 = arith.addi %rem3A_23, %select_n3A_22 : i32
    %select_n3A_32 = arith.select %and3A_30, %add3A_31, %rem3A_23 : i32
    %mul3A_33 = arith.constant 512 : i32
    %mul3A_34 = arith.muli %select_n3A_32, %mul3A_33 : i32
    "tpu.region"() ({
      %run_scoped3A = tpu.sem_alloc : memref<!tpu.dma_semaphore, #tpu.memory_space<semaphore_mem>>
      %dma_start3A_79 = tpu.memref_slice %arg3[%select_n3A, %mul3A_34] : memref<4x4096xi32, #tpu.memory_space<hbm>> -> memref<1x512xi32, #tpu.memory_space<hbm>>
      %dma_start3A_80 = tpu.memref_squeeze %dma_start3A_79 : memref<1x512xi32, #tpu.memory_space<hbm>> -> memref<512xi32, #tpu.memory_space<hbm>>
      %dma_start3A_81 = tpu.memref_slice %arg3[%select_n3A, %mul3A_34] : memref<4x4096xi32, #tpu.memory_space<hbm>> -> memref<1x512xi32, #tpu.memory_space<hbm>>
      %dma_start3A_82 = tpu.memref_squeeze %dma_start3A_81 : memref<1x512xi32, #tpu.memory_space<hbm>> -> memref<512xi32, #tpu.memory_space<hbm>>
      tpu.enqueue_dma source(%dma_start3A_82 : memref<512xi32, #tpu.memory_space<hbm>>) target(%arg5 : memref<512xi32, #tpu.memory_space<vmem>>) target_semaphore(%run_scoped3A : memref<!tpu.dma_semaphore, #tpu.memory_space<semaphore_mem>>)
      %dma_wait3A = tpu.memref_slice %arg3[%select_n3A, %mul3A_34] : memref<4x4096xi32, #tpu.memory_space<hbm>> -> memref<1x512xi32, #tpu.memory_space<hbm>>
      %dma_wait3A_83 = tpu.memref_squeeze %dma_wait3A : memref<1x512xi32, #tpu.memory_space<hbm>> -> memref<512xi32, #tpu.memory_space<hbm>>
      %dma_wait3A_84 = tpu.memref_slice %arg3[%select_n3A, %mul3A_34] : memref<4x4096xi32, #tpu.memory_space<hbm>> -> memref<1x512xi32, #tpu.memory_space<hbm>>
      %dma_wait3A_85 = tpu.memref_squeeze %dma_wait3A_84 : memref<1x512xi32, #tpu.memory_space<hbm>> -> memref<512xi32, #tpu.memory_space<hbm>>
      tpu.wait_dma2 semaphore(%run_scoped3A : memref<!tpu.dma_semaphore, #tpu.memory_space<semaphore_mem>>) src(%dma_wait3A_85 : memref<512xi32, #tpu.memory_space<hbm>>) dst(%arg5 : memref<512xi32, #tpu.memory_space<vmem>>)
      tpu.yield
    }) : () -> ()
    %dma_start3A = arith.constant 0 : i32
    %dma_start3A_35 = arith.constant 0 : i32
    %dma_start3A_36 = arith.constant 0 : i32
    %dma_start3A_37 = tpu.memref_slice %arg6[%dma_start3A, %dma_start3A_35, %dma_start3A_36] : memref<4x8x2048xf32, #tpu.memory_space<vmem>> -> memref<1x8x2048xf32, #tpu.memory_space<vmem>>
    %dma_start3A_38 = tpu.memref_squeeze %dma_start3A_37 : memref<1x8x2048xf32, #tpu.memory_space<vmem>> -> memref<8x2048xf32, #tpu.memory_space<vmem>>
    %dma_start3A_39 = arith.constant 0 : i32
    %dma_start3A_40 = tpu.memref_slice %arg5[%dma_start3A_39] : memref<512xi32, #tpu.memory_space<vmem>> -> memref<8xi32, #tpu.memory_space<vmem>>
    %dma_start3A_41 = arith.constant 0 : i32
    %dma_start3A_42 = arith.constant 0 : i32
    %dma_start3A_43 = tpu.memref_slice %arg2[%dma_start3A_41, %dma_start3A_42] : memref<8192x2048xf32, #tpu.memory_space<hbm>> -> memref<8192x2048xf32, #tpu.memory_space<hbm>>
    tpu.enqueue_indirect_dma source(%dma_start3A_43 : memref<8192x2048xf32, #tpu.memory_space<hbm>>) target(%dma_start3A_38 : memref<8x2048xf32, #tpu.memory_space<vmem>>) offsets(%dma_start3A_40 : memref<8xi32, #tpu.memory_space<vmem>>) semaphore(%arg7 : memref<!tpu.dma_semaphore, #tpu.memory_space<semaphore_mem>>)
    %dma_start3A_44 = arith.constant 1 : i32
    %dma_start3A_45 = arith.constant 0 : i32
    %dma_start3A_46 = arith.constant 0 : i32
    %dma_start3A_47 = tpu.memref_slice %arg6[%dma_start3A_44, %dma_start3A_45, %dma_start3A_46] : memref<4x8x2048xf32, #tpu.memory_space<vmem>> -> memref<1x8x2048xf32, #tpu.memory_space<vmem>>
    %dma_start3A_48 = tpu.memref_squeeze %dma_start3A_47 : memref<1x8x2048xf32, #tpu.memory_space<vmem>> -> memref<8x2048xf32, #tpu.memory_space<vmem>>
    %dma_start3A_49 = arith.constant 8 : i32
    %dma_start3A_50 = tpu.memref_slice %arg5[%dma_start3A_49] : memref<512xi32, #tpu.memory_space<vmem>> -> memref<8xi32, #tpu.memory_space<vmem>>
    %dma_start3A_51 = arith.constant 0 : i32
    %dma_start3A_52 = arith.constant 0 : i32
    %dma_start3A_53 = tpu.memref_slice %arg2[%dma_start3A_51, %dma_start3A_52] : memref<8192x2048xf32, #tpu.memory_space<hbm>> -> memref<8192x2048xf32, #tpu.memory_space<hbm>>
    tpu.enqueue_indirect_dma source(%dma_start3A_53 : memref<8192x2048xf32, #tpu.memory_space<hbm>>) target(%dma_start3A_48 : memref<8x2048xf32, #tpu.memory_space<vmem>>) offsets(%dma_start3A_50 : memref<8xi32, #tpu.memory_space<vmem>>) semaphore(%arg8 : memref<!tpu.dma_semaphore, #tpu.memory_space<semaphore_mem>>)
    %dma_start3A_54 = arith.constant 2 : i32
    %dma_start3A_55 = arith.constant 0 : i32
    %dma_start3A_56 = arith.constant 0 : i32
    %dma_start3A_57 = tpu.memref_slice %arg6[%dma_start3A_54, %dma_start3A_55, %dma_start3A_56] : memref<4x8x2048xf32, #tpu.memory_space<vmem>> -> memref<1x8x2048xf32, #tpu.memory_space<vmem>>
    %dma_start3A_58 = tpu.memref_squeeze %dma_start3A_57 : memref<1x8x2048xf32, #tpu.memory_space<vmem>> -> memref<8x2048xf32, #tpu.memory_space<vmem>>
    %dma_start3A_59 = arith.constant 16 : i32
    %dma_start3A_60 = tpu.memref_slice %arg5[%dma_start3A_59] : memref<512xi32, #tpu.memory_space<vmem>> -> memref<8xi32, #tpu.memory_space<vmem>>
    %dma_start3A_61 = arith.constant 0 : i32
    %dma_start3A_62 = arith.constant 0 : i32
    %dma_start3A_63 = tpu.memref_slice %arg2[%dma_start3A_61, %dma_start3A_62] : memref<8192x2048xf32, #tpu.memory_space<hbm>> -> memref<8192x2048xf32, #tpu.memory_space<hbm>>
    tpu.enqueue_indirect_dma source(%dma_start3A_63 : memref<8192x2048xf32, #tpu.memory_space<hbm>>) target(%dma_start3A_58 : memref<8x2048xf32, #tpu.memory_space<vmem>>) offsets(%dma_start3A_60 : memref<8xi32, #tpu.memory_space<vmem>>) semaphore(%arg9 : memref<!tpu.dma_semaphore, #tpu.memory_space<semaphore_mem>>)
    %dma_start3A_64 = arith.constant 3 : i32
    %dma_start3A_65 = arith.constant 0 : i32
    %dma_start3A_66 = arith.constant 0 : i32
    %dma_start3A_67 = tpu.memref_slice %arg6[%dma_start3A_64, %dma_start3A_65, %dma_start3A_66] : memref<4x8x2048xf32, #tpu.memory_space<vmem>> -> memref<1x8x2048xf32, #tpu.memory_space<vmem>>
    %dma_start3A_68 = tpu.memref_squeeze %dma_start3A_67 : memref<1x8x2048xf32, #tpu.memory_space<vmem>> -> memref<8x2048xf32, #tpu.memory_space<vmem>>
    %dma_start3A_69 = arith.constant 24 : i32
    %dma_start3A_70 = tpu.memref_slice %arg5[%dma_start3A_69] : memref<512xi32, #tpu.memory_space<vmem>> -> memref<8xi32, #tpu.memory_space<vmem>>
    %dma_start3A_71 = arith.constant 0 : i32
    %dma_start3A_72 = arith.constant 0 : i32
    %dma_start3A_73 = tpu.memref_slice %arg2[%dma_start3A_71, %dma_start3A_72] : memref<8192x2048xf32, #tpu.memory_space<hbm>> -> memref<8192x2048xf32, #tpu.memory_space<hbm>>
    tpu.enqueue_indirect_dma source(%dma_start3A_73 : memref<8192x2048xf32, #tpu.memory_space<hbm>>) target(%dma_start3A_68 : memref<8x2048xf32, #tpu.memory_space<vmem>>) offsets(%dma_start3A_70 : memref<8xi32, #tpu.memory_space<vmem>>) semaphore(%arg10 : memref<!tpu.dma_semaphore, #tpu.memory_space<semaphore_mem>>)
    %scan3A = arith.constant 0 : i32
    %scan3A_74 = arith.constant 0 : i32
    %scan3A_75 = arith.constant 16 : i32
    %scan3A_76 = arith.addi %scan3A_74, %scan3A_75 : i32
    %scan3A_77 = arith.constant 1 : i32
    scf.for %scan3A_79 = %scan3A_74 to %scan3A_76 step %scan3A_77  : i32 {
      %mul3A_80 = arith.constant 4 : i32
      %mul3A_81 = arith.muli %scan3A_79, %mul3A_80 : i32
      %add3A_82 = arith.constant 0 : i32
      %add3A_83 = arith.addi %mul3A_81, %add3A_82 : i32
      %mul3A_84 = arith.constant 8 : i32
      %mul3A_85 = arith.muli %add3A_83, %mul3A_84 : i32
      %dma_wait3A = arith.constant 0 : i32
      %dma_wait3A_86 = arith.constant 0 : i32
      %dma_wait3A_87 = arith.constant 0 : i32
      %dma_wait3A_88 = tpu.memref_slice %arg6[%dma_wait3A, %dma_wait3A_86, %dma_wait3A_87] : memref<4x8x2048xf32, #tpu.memory_space<vmem>> -> memref<1x8x2048xf32, #tpu.memory_space<vmem>>
      %dma_wait3A_89 = tpu.memref_squeeze %dma_wait3A_88 : memref<1x8x2048xf32, #tpu.memory_space<vmem>> -> memref<8x2048xf32, #tpu.memory_space<vmem>>
      %dma_wait3A_90 = tpu.memref_slice %arg5[%mul3A_85] : memref<512xi32, #tpu.memory_space<vmem>> -> memref<8xi32, #tpu.memory_space<vmem>>
      %dma_wait3A_91 = arith.constant 0 : i32
      %dma_wait3A_92 = arith.constant 0 : i32
      %dma_wait3A_93 = tpu.memref_slice %arg2[%dma_wait3A_91, %dma_wait3A_92] : memref<8192x2048xf32, #tpu.memory_space<hbm>> -> memref<8192x2048xf32, #tpu.memory_space<hbm>>
      tpu.wait_indirect_dma semaphore(%arg7 : memref<!tpu.dma_semaphore, #tpu.memory_space<semaphore_mem>>) src(%dma_wait3A_93 : memref<8192x2048xf32, #tpu.memory_space<hbm>>) dst(%dma_wait3A_89 : memref<8x2048xf32, #tpu.memory_space<vmem>>)
      %mul3A_94 = arith.constant 8 : i32
      %mul3A_95 = arith.muli %add3A_83, %mul3A_94 : i32
      %add3A_96 = arith.addi %mul3A_2, %mul3A_95 : i32
      %run_scoped3A = arith.constant 0 : i32
      "tpu.region"() ({
        %run_scoped3A_180 = tpu.sem_alloc : memref<!tpu.dma_semaphore, #tpu.memory_space<semaphore_mem>>
        %dma_start3A_181 = arith.constant 0 : i32
        %dma_start3A_182 = arith.constant 0 : i32
        %dma_start3A_183 = tpu.memref_slice %arg6[%run_scoped3A, %dma_start3A_181, %dma_start3A_182] : memref<4x8x2048xf32, #tpu.memory_space<vmem>> -> memref<1x8x2048xf32, #tpu.memory_space<vmem>>
        %dma_start3A_184 = tpu.memref_squeeze %dma_start3A_183 : memref<1x8x2048xf32, #tpu.memory_space<vmem>> -> memref<8x2048xf32, #tpu.memory_space<vmem>>
        %dma_start3A_185 = arith.constant 0 : i32
        %dma_start3A_186 = tpu.memref_slice %arg4[%add3A_96, %dma_start3A_185] : memref<16384x2048xf32, #tpu.memory_space<hbm>> -> memref<8x2048xf32, #tpu.memory_space<hbm>>
        %dma_start3A_187 = arith.constant 0 : i32
        %dma_start3A_188 = tpu.memref_slice %arg4[%add3A_96, %dma_start3A_187] : memref<16384x2048xf32, #tpu.memory_space<hbm>> -> memref<8x2048xf32, #tpu.memory_space<hbm>>
        %dma_start3A_189 = arith.constant 0 : i32
        %dma_start3A_190 = arith.constant 0 : i32
        %dma_start3A_191 = tpu.memref_slice %arg6[%run_scoped3A, %dma_start3A_189, %dma_start3A_190] : memref<4x8x2048xf32, #tpu.memory_space<vmem>> -> memref<1x8x2048xf32, #tpu.memory_space<vmem>>
        %dma_start3A_192 = tpu.memref_squeeze %dma_start3A_191 : memref<1x8x2048xf32, #tpu.memory_space<vmem>> -> memref<8x2048xf32, #tpu.memory_space<vmem>>
        tpu.enqueue_dma source(%dma_start3A_192 : memref<8x2048xf32, #tpu.memory_space<vmem>>) target(%dma_start3A_188 : memref<8x2048xf32, #tpu.memory_space<hbm>>) target_semaphore(%run_scoped3A_180 : memref<!tpu.dma_semaphore, #tpu.memory_space<semaphore_mem>>)
        %dma_wait3A_193 = arith.constant 0 : i32
        %dma_wait3A_194 = arith.constant 0 : i32
        %dma_wait3A_195 = tpu.memref_slice %arg6[%run_scoped3A, %dma_wait3A_193, %dma_wait3A_194] : memref<4x8x2048xf32, #tpu.memory_space<vmem>> -> memref<1x8x2048xf32, #tpu.memory_space<vmem>>
        %dma_wait3A_196 = tpu.memref_squeeze %dma_wait3A_195 : memref<1x8x2048xf32, #tpu.memory_space<vmem>> -> memref<8x2048xf32, #tpu.memory_space<vmem>>
        %dma_wait3A_197 = arith.constant 0 : i32
        %dma_wait3A_198 = tpu.memref_slice %arg4[%add3A_96, %dma_wait3A_197] : memref<16384x2048xf32, #tpu.memory_space<hbm>> -> memref<8x2048xf32, #tpu.memory_space<hbm>>
        %dma_wait3A_199 = arith.constant 0 : i32
        %dma_wait3A_200 = tpu.memref_slice %arg4[%add3A_96, %dma_wait3A_199] : memref<16384x2048xf32, #tpu.memory_space<hbm>> -> memref<8x2048xf32, #tpu.memory_space<hbm>>
        %dma_wait3A_201 = arith.constant 0 : i32
        %dma_wait3A_202 = arith.constant 0 : i32
        %dma_wait3A_203 = tpu.memref_slice %arg6[%run_scoped3A, %dma_wait3A_201, %dma_wait3A_202] : memref<4x8x2048xf32, #tpu.memory_space<vmem>> -> memref<1x8x2048xf32, #tpu.memory_space<vmem>>
        %dma_wait3A_204 = tpu.memref_squeeze %dma_wait3A_203 : memref<1x8x2048xf32, #tpu.memory_space<vmem>> -> memref<8x2048xf32, #tpu.memory_space<vmem>>
        tpu.wait_dma2 semaphore(%run_scoped3A_180 : memref<!tpu.dma_semaphore, #tpu.memory_space<semaphore_mem>>) src(%dma_wait3A_204 : memref<8x2048xf32, #tpu.memory_space<vmem>>) dst(%dma_wait3A_200 : memref<8x2048xf32, #tpu.memory_space<hbm>>)
        tpu.yield
      }) : () -> ()
      %add3A_97 = arith.constant 4 : i32
      %add3A_98 = arith.addi %add3A_83, %add3A_97 : i32
      %lt3A_99 = arith.constant 64 : i32
      %lt3A_100 = arith.cmpi slt, %add3A_98, %lt3A_99 : i32
      %convert_element_type3A = arith.extui %lt3A_100 : i1 to i32
      %cond3A = arith.constant 0 : i32
      %cond3A_101 = arith.cmpi ne, %convert_element_type3A, %cond3A : i32
      scf.if %cond3A_101 {
        %mul3A_180 = arith.constant 8 : i32
        %mul3A_181 = arith.muli %add3A_98, %mul3A_180 : i32
        %dma_start3A_182 = arith.constant 0 : i32
        %dma_start3A_183 = arith.constant 0 : i32
        %dma_start3A_184 = arith.constant 0 : i32
        %dma_start3A_185 = tpu.memref_slice %arg6[%dma_start3A_182, %dma_start3A_183, %dma_start3A_184] : memref<4x8x2048xf32, #tpu.memory_space<vmem>> -> memref<1x8x2048xf32, #tpu.memory_space<vmem>>
        %dma_start3A_186 = tpu.memref_squeeze %dma_start3A_185 : memref<1x8x2048xf32, #tpu.memory_space<vmem>> -> memref<8x2048xf32, #tpu.memory_space<vmem>>
        %dma_start3A_187 = tpu.memref_slice %arg5[%mul3A_181] : memref<512xi32, #tpu.memory_space<vmem>> -> memref<8xi32, #tpu.memory_space<vmem>>
        %dma_start3A_188 = arith.constant 0 : i32
        %dma_start3A_189 = arith.constant 0 : i32
        %dma_start3A_190 = tpu.memref_slice %arg2[%dma_start3A_188, %dma_start3A_189] : memref<8192x2048xf32, #tpu.memory_space<hbm>> -> memref<8192x2048xf32, #tpu.memory_space<hbm>>
        tpu.enqueue_indirect_dma source(%dma_start3A_190 : memref<8192x2048xf32, #tpu.memory_space<hbm>>) target(%dma_start3A_186 : memref<8x2048xf32, #tpu.memory_space<vmem>>) offsets(%dma_start3A_187 : memref<8xi32, #tpu.memory_space<vmem>>) semaphore(%arg7 : memref<!tpu.dma_semaphore, #tpu.memory_space<semaphore_mem>>)
      } else {
      }
      %mul3A_102 = arith.constant 4 : i32
      %mul3A_103 = arith.muli %scan3A_79, %mul3A_102 : i32
      %add3A_104 = arith.constant 1 : i32
      %add3A_105 = arith.addi %mul3A_103, %add3A_104 : i32
      %mul3A_106 = arith.constant 8 : i32
      %mul3A_107 = arith.muli %add3A_105, %mul3A_106 : i32
      %dma_wait3A_108 = arith.constant 1 : i32
      %dma_wait3A_109 = arith.constant 0 : i32
      %dma_wait3A_110 = arith.constant 0 : i32
      %dma_wait3A_111 = tpu.memref_slice %arg6[%dma_wait3A_108, %dma_wait3A_109, %dma_wait3A_110] : memref<4x8x2048xf32, #tpu.memory_space<vmem>> -> memref<1x8x2048xf32, #tpu.memory_space<vmem>>
      %dma_wait3A_112 = tpu.memref_squeeze %dma_wait3A_111 : memref<1x8x2048xf32, #tpu.memory_space<vmem>> -> memref<8x2048xf32, #tpu.memory_space<vmem>>
      %dma_wait3A_113 = tpu.memref_slice %arg5[%mul3A_107] : memref<512xi32, #tpu.memory_space<vmem>> -> memref<8xi32, #tpu.memory_space<vmem>>
      %dma_wait3A_114 = arith.constant 0 : i32
      %dma_wait3A_115 = arith.constant 0 : i32
      %dma_wait3A_116 = tpu.memref_slice %arg2[%dma_wait3A_114, %dma_wait3A_115] : memref<8192x2048xf32, #tpu.memory_space<hbm>> -> memref<8192x2048xf32, #tpu.memory_space<hbm>>
      tpu.wait_indirect_dma semaphore(%arg8 : memref<!tpu.dma_semaphore, #tpu.memory_space<semaphore_mem>>) src(%dma_wait3A_116 : memref<8192x2048xf32, #tpu.memory_space<hbm>>) dst(%dma_wait3A_112 : memref<8x2048xf32, #tpu.memory_space<vmem>>)
      %mul3A_117 = arith.constant 8 : i32
      %mul3A_118 = arith.muli %add3A_105, %mul3A_117 : i32
      %add3A_119 = arith.addi %mul3A_2, %mul3A_118 : i32
      %run_scoped3A_120 = arith.constant 1 : i32
      "tpu.region"() ({
        %run_scoped3A_180 = tpu.sem_alloc : memref<!tpu.dma_semaphore, #tpu.memory_space<semaphore_mem>>
        %dma_start3A_181 = arith.constant 0 : i32
        %dma_start3A_182 = arith.constant 0 : i32
        %dma_start3A_183 = tpu.memref_slice %arg6[%run_scoped3A_120, %dma_start3A_181, %dma_start3A_182] : memref<4x8x2048xf32, #tpu.memory_space<vmem>> -> memref<1x8x2048xf32, #tpu.memory_space<vmem>>
        %dma_start3A_184 = tpu.memref_squeeze %dma_start3A_183 : memref<1x8x2048xf32, #tpu.memory_space<vmem>> -> memref<8x2048xf32, #tpu.memory_space<vmem>>
        %dma_start3A_185 = arith.constant 0 : i32
        %dma_start3A_186 = tpu.memref_slice %arg4[%add3A_119, %dma_start3A_185] : memref<16384x2048xf32, #tpu.memory_space<hbm>> -> memref<8x2048xf32, #tpu.memory_space<hbm>>
        %dma_start3A_187 = arith.constant 0 : i32
        %dma_start3A_188 = tpu.memref_slice %arg4[%add3A_119, %dma_start3A_187] : memref<16384x2048xf32, #tpu.memory_space<hbm>> -> memref<8x2048xf32, #tpu.memory_space<hbm>>
        %dma_start3A_189 = arith.constant 0 : i32
        %dma_start3A_190 = arith.constant 0 : i32
        %dma_start3A_191 = tpu.memref_slice %arg6[%run_scoped3A_120, %dma_start3A_189, %dma_start3A_190] : memref<4x8x2048xf32, #tpu.memory_space<vmem>> -> memref<1x8x2048xf32, #tpu.memory_space<vmem>>
        %dma_start3A_192 = tpu.memref_squeeze %dma_start3A_191 : memref<1x8x2048xf32, #tpu.memory_space<vmem>> -> memref<8x2048xf32, #tpu.memory_space<vmem>>
        tpu.enqueue_dma source(%dma_start3A_192 : memref<8x2048xf32, #tpu.memory_space<vmem>>) target(%dma_start3A_188 : memref<8x2048xf32, #tpu.memory_space<hbm>>) target_semaphore(%run_scoped3A_180 : memref<!tpu.dma_semaphore, #tpu.memory_space<semaphore_mem>>)
        %dma_wait3A_193 = arith.constant 0 : i32
        %dma_wait3A_194 = arith.constant 0 : i32
        %dma_wait3A_195 = tpu.memref_slice %arg6[%run_scoped3A_120, %dma_wait3A_193, %dma_wait3A_194] : memref<4x8x2048xf32, #tpu.memory_space<vmem>> -> memref<1x8x2048xf32, #tpu.memory_space<vmem>>
        %dma_wait3A_196 = tpu.memref_squeeze %dma_wait3A_195 : memref<1x8x2048xf32, #tpu.memory_space<vmem>> -> memref<8x2048xf32, #tpu.memory_space<vmem>>
        %dma_wait3A_197 = arith.constant 0 : i32
        %dma_wait3A_198 = tpu.memref_slice %arg4[%add3A_119, %dma_wait3A_197] : memref<16384x2048xf32, #tpu.memory_space<hbm>> -> memref<8x2048xf32, #tpu.memory_space<hbm>>
        %dma_wait3A_199 = arith.constant 0 : i32
        %dma_wait3A_200 = tpu.memref_slice %arg4[%add3A_119, %dma_wait3A_199] : memref<16384x2048xf32, #tpu.memory_space<hbm>> -> memref<8x2048xf32, #tpu.memory_space<hbm>>
        %dma_wait3A_201 = arith.constant 0 : i32
        %dma_wait3A_202 = arith.constant 0 : i32
        %dma_wait3A_203 = tpu.memref_slice %arg6[%run_scoped3A_120, %dma_wait3A_201, %dma_wait3A_202] : memref<4x8x2048xf32, #tpu.memory_space<vmem>> -> memref<1x8x2048xf32, #tpu.memory_space<vmem>>
        %dma_wait3A_204 = tpu.memref_squeeze %dma_wait3A_203 : memref<1x8x2048xf32, #tpu.memory_space<vmem>> -> memref<8x2048xf32, #tpu.memory_space<vmem>>
        tpu.wait_dma2 semaphore(%run_scoped3A_180 : memref<!tpu.dma_semaphore, #tpu.memory_space<semaphore_mem>>) src(%dma_wait3A_204 : memref<8x2048xf32, #tpu.memory_space<vmem>>) dst(%dma_wait3A_200 : memref<8x2048xf32, #tpu.memory_space<hbm>>)
        tpu.yield
      }) : () -> ()
      %add3A_121 = arith.constant 4 : i32
      %add3A_122 = arith.addi %add3A_105, %add3A_121 : i32
      %lt3A_123 = arith.constant 64 : i32
      %lt3A_124 = arith.cmpi slt, %add3A_122, %lt3A_123 : i32
      %convert_element_type3A_125 = arith.extui %lt3A_124 : i1 to i32
      %cond3A_126 = arith.constant 0 : i32
      %cond3A_127 = arith.cmpi ne, %convert_element_type3A_125, %cond3A_126 : i32
      scf.if %cond3A_127 {
        %mul3A_180 = arith.constant 8 : i32
        %mul3A_181 = arith.muli %add3A_122, %mul3A_180 : i32
        %dma_start3A_182 = arith.constant 1 : i32
        %dma_start3A_183 = arith.constant 0 : i32
        %dma_start3A_184 = arith.constant 0 : i32
        %dma_start3A_185 = tpu.memref_slice %arg6[%dma_start3A_182, %dma_start3A_183, %dma_start3A_184] : memref<4x8x2048xf32, #tpu.memory_space<vmem>> -> memref<1x8x2048xf32, #tpu.memory_space<vmem>>
        %dma_start3A_186 = tpu.memref_squeeze %dma_start3A_185 : memref<1x8x2048xf32, #tpu.memory_space<vmem>> -> memref<8x2048xf32, #tpu.memory_space<vmem>>
        %dma_start3A_187 = tpu.memref_slice %arg5[%mul3A_181] : memref<512xi32, #tpu.memory_space<vmem>> -> memref<8xi32, #tpu.memory_space<vmem>>
        %dma_start3A_188 = arith.constant 0 : i32
        %dma_start3A_189 = arith.constant 0 : i32
        %dma_start3A_190 = tpu.memref_slice %arg2[%dma_start3A_188, %dma_start3A_189] : memref<8192x2048xf32, #tpu.memory_space<hbm>> -> memref<8192x2048xf32, #tpu.memory_space<hbm>>
        tpu.enqueue_indirect_dma source(%dma_start3A_190 : memref<8192x2048xf32, #tpu.memory_space<hbm>>) target(%dma_start3A_186 : memref<8x2048xf32, #tpu.memory_space<vmem>>) offsets(%dma_start3A_187 : memref<8xi32, #tpu.memory_space<vmem>>) semaphore(%arg8 : memref<!tpu.dma_semaphore, #tpu.memory_space<semaphore_mem>>)
      } else {
      }
      %mul3A_128 = arith.constant 4 : i32
      %mul3A_129 = arith.muli %scan3A_79, %mul3A_128 : i32
      %add3A_130 = arith.constant 2 : i32
      %add3A_131 = arith.addi %mul3A_129, %add3A_130 : i32
      %mul3A_132 = arith.constant 8 : i32
      %mul3A_133 = arith.muli %add3A_131, %mul3A_132 : i32
      %dma_wait3A_134 = arith.constant 2 : i32
      %dma_wait3A_135 = arith.constant 0 : i32
      %dma_wait3A_136 = arith.constant 0 : i32
      %dma_wait3A_137 = tpu.memref_slice %arg6[%dma_wait3A_134, %dma_wait3A_135, %dma_wait3A_136] : memref<4x8x2048xf32, #tpu.memory_space<vmem>> -> memref<1x8x2048xf32, #tpu.memory_space<vmem>>
      %dma_wait3A_138 = tpu.memref_squeeze %dma_wait3A_137 : memref<1x8x2048xf32, #tpu.memory_space<vmem>> -> memref<8x2048xf32, #tpu.memory_space<vmem>>
      %dma_wait3A_139 = tpu.memref_slice %arg5[%mul3A_133] : memref<512xi32, #tpu.memory_space<vmem>> -> memref<8xi32, #tpu.memory_space<vmem>>
      %dma_wait3A_140 = arith.constant 0 : i32
      %dma_wait3A_141 = arith.constant 0 : i32
      %dma_wait3A_142 = tpu.memref_slice %arg2[%dma_wait3A_140, %dma_wait3A_141] : memref<8192x2048xf32, #tpu.memory_space<hbm>> -> memref<8192x2048xf32, #tpu.memory_space<hbm>>
      tpu.wait_indirect_dma semaphore(%arg9 : memref<!tpu.dma_semaphore, #tpu.memory_space<semaphore_mem>>) src(%dma_wait3A_142 : memref<8192x2048xf32, #tpu.memory_space<hbm>>) dst(%dma_wait3A_138 : memref<8x2048xf32, #tpu.memory_space<vmem>>)
      %mul3A_143 = arith.constant 8 : i32
      %mul3A_144 = arith.muli %add3A_131, %mul3A_143 : i32
      %add3A_145 = arith.addi %mul3A_2, %mul3A_144 : i32
      %run_scoped3A_146 = arith.constant 2 : i32
      "tpu.region"() ({
        %run_scoped3A_180 = tpu.sem_alloc : memref<!tpu.dma_semaphore, #tpu.memory_space<semaphore_mem>>
        %dma_start3A_181 = arith.constant 0 : i32
        %dma_start3A_182 = arith.constant 0 : i32
        %dma_start3A_183 = tpu.memref_slice %arg6[%run_scoped3A_146, %dma_start3A_181, %dma_start3A_182] : memref<4x8x2048xf32, #tpu.memory_space<vmem>> -> memref<1x8x2048xf32, #tpu.memory_space<vmem>>
        %dma_start3A_184 = tpu.memref_squeeze %dma_start3A_183 : memref<1x8x2048xf32, #tpu.memory_space<vmem>> -> memref<8x2048xf32, #tpu.memory_space<vmem>>
        %dma_start3A_185 = arith.constant 0 : i32
        %dma_start3A_186 = tpu.memref_slice %arg4[%add3A_145, %dma_start3A_185] : memref<16384x2048xf32, #tpu.memory_space<hbm>> -> memref<8x2048xf32, #tpu.memory_space<hbm>>
        %dma_start3A_187 = arith.constant 0 : i32
        %dma_start3A_188 = tpu.memref_slice %arg4[%add3A_145, %dma_start3A_187] : memref<16384x2048xf32, #tpu.memory_space<hbm>> -> memref<8x2048xf32, #tpu.memory_space<hbm>>
        %dma_start3A_189 = arith.constant 0 : i32
        %dma_start3A_190 = arith.constant 0 : i32
        %dma_start3A_191 = tpu.memref_slice %arg6[%run_scoped3A_146, %dma_start3A_189, %dma_start3A_190] : memref<4x8x2048xf32, #tpu.memory_space<vmem>> -> memref<1x8x2048xf32, #tpu.memory_space<vmem>>
        %dma_start3A_192 = tpu.memref_squeeze %dma_start3A_191 : memref<1x8x2048xf32, #tpu.memory_space<vmem>> -> memref<8x2048xf32, #tpu.memory_space<vmem>>
        tpu.enqueue_dma source(%dma_start3A_192 : memref<8x2048xf32, #tpu.memory_space<vmem>>) target(%dma_start3A_188 : memref<8x2048xf32, #tpu.memory_space<hbm>>) target_semaphore(%run_scoped3A_180 : memref<!tpu.dma_semaphore, #tpu.memory_space<semaphore_mem>>)
        %dma_wait3A_193 = arith.constant 0 : i32
        %dma_wait3A_194 = arith.constant 0 : i32
        %dma_wait3A_195 = tpu.memref_slice %arg6[%run_scoped3A_146, %dma_wait3A_193, %dma_wait3A_194] : memref<4x8x2048xf32, #tpu.memory_space<vmem>> -> memref<1x8x2048xf32, #tpu.memory_space<vmem>>
        %dma_wait3A_196 = tpu.memref_squeeze %dma_wait3A_195 : memref<1x8x2048xf32, #tpu.memory_space<vmem>> -> memref<8x2048xf32, #tpu.memory_space<vmem>>
        %dma_wait3A_197 = arith.constant 0 : i32
        %dma_wait3A_198 = tpu.memref_slice %arg4[%add3A_145, %dma_wait3A_197] : memref<16384x2048xf32, #tpu.memory_space<hbm>> -> memref<8x2048xf32, #tpu.memory_space<hbm>>
        %dma_wait3A_199 = arith.constant 0 : i32
        %dma_wait3A_200 = tpu.memref_slice %arg4[%add3A_145, %dma_wait3A_199] : memref<16384x2048xf32, #tpu.memory_space<hbm>> -> memref<8x2048xf32, #tpu.memory_space<hbm>>
        %dma_wait3A_201 = arith.constant 0 : i32
        %dma_wait3A_202 = arith.constant 0 : i32
        %dma_wait3A_203 = tpu.memref_slice %arg6[%run_scoped3A_146, %dma_wait3A_201, %dma_wait3A_202] : memref<4x8x2048xf32, #tpu.memory_space<vmem>> -> memref<1x8x2048xf32, #tpu.memory_space<vmem>>
        %dma_wait3A_204 = tpu.memref_squeeze %dma_wait3A_203 : memref<1x8x2048xf32, #tpu.memory_space<vmem>> -> memref<8x2048xf32, #tpu.memory_space<vmem>>
        tpu.wait_dma2 semaphore(%run_scoped3A_180 : memref<!tpu.dma_semaphore, #tpu.memory_space<semaphore_mem>>) src(%dma_wait3A_204 : memref<8x2048xf32, #tpu.memory_space<vmem>>) dst(%dma_wait3A_200 : memref<8x2048xf32, #tpu.memory_space<hbm>>)
        tpu.yield
      }) : () -> ()
      %add3A_147 = arith.constant 4 : i32
      %add3A_148 = arith.addi %add3A_131, %add3A_147 : i32
      %lt3A_149 = arith.constant 64 : i32
      %lt3A_150 = arith.cmpi slt, %add3A_148, %lt3A_149 : i32
      %convert_element_type3A_151 = arith.extui %lt3A_150 : i1 to i32
      %cond3A_152 = arith.constant 0 : i32
      %cond3A_153 = arith.cmpi ne, %convert_element_type3A_151, %cond3A_152 : i32
      scf.if %cond3A_153 {
        %mul3A_180 = arith.constant 8 : i32
        %mul3A_181 = arith.muli %add3A_148, %mul3A_180 : i32
        %dma_start3A_182 = arith.constant 2 : i32
        %dma_start3A_183 = arith.constant 0 : i32
        %dma_start3A_184 = arith.constant 0 : i32
        %dma_start3A_185 = tpu.memref_slice %arg6[%dma_start3A_182, %dma_start3A_183, %dma_start3A_184] : memref<4x8x2048xf32, #tpu.memory_space<vmem>> -> memref<1x8x2048xf32, #tpu.memory_space<vmem>>
        %dma_start3A_186 = tpu.memref_squeeze %dma_start3A_185 : memref<1x8x2048xf32, #tpu.memory_space<vmem>> -> memref<8x2048xf32, #tpu.memory_space<vmem>>
        %dma_start3A_187 = tpu.memref_slice %arg5[%mul3A_181] : memref<512xi32, #tpu.memory_space<vmem>> -> memref<8xi32, #tpu.memory_space<vmem>>
        %dma_start3A_188 = arith.constant 0 : i32
        %dma_start3A_189 = arith.constant 0 : i32
        %dma_start3A_190 = tpu.memref_slice %arg2[%dma_start3A_188, %dma_start3A_189] : memref<8192x2048xf32, #tpu.memory_space<hbm>> -> memref<8192x2048xf32, #tpu.memory_space<hbm>>
        tpu.enqueue_indirect_dma source(%dma_start3A_190 : memref<8192x2048xf32, #tpu.memory_space<hbm>>) target(%dma_start3A_186 : memref<8x2048xf32, #tpu.memory_space<vmem>>) offsets(%dma_start3A_187 : memref<8xi32, #tpu.memory_space<vmem>>) semaphore(%arg9 : memref<!tpu.dma_semaphore, #tpu.memory_space<semaphore_mem>>)
      } else {
      }
      %mul3A_154 = arith.constant 4 : i32
      %mul3A_155 = arith.muli %scan3A_79, %mul3A_154 : i32
      %add3A_156 = arith.constant 3 : i32
      %add3A_157 = arith.addi %mul3A_155, %add3A_156 : i32
      %mul3A_158 = arith.constant 8 : i32
      %mul3A_159 = arith.muli %add3A_157, %mul3A_158 : i32
      %dma_wait3A_160 = arith.constant 3 : i32
      %dma_wait3A_161 = arith.constant 0 : i32
      %dma_wait3A_162 = arith.constant 0 : i32
      %dma_wait3A_163 = tpu.memref_slice %arg6[%dma_wait3A_160, %dma_wait3A_161, %dma_wait3A_162] : memref<4x8x2048xf32, #tpu.memory_space<vmem>> -> memref<1x8x2048xf32, #tpu.memory_space<vmem>>
      %dma_wait3A_164 = tpu.memref_squeeze %dma_wait3A_163 : memref<1x8x2048xf32, #tpu.memory_space<vmem>> -> memref<8x2048xf32, #tpu.memory_space<vmem>>
      %dma_wait3A_165 = tpu.memref_slice %arg5[%mul3A_159] : memref<512xi32, #tpu.memory_space<vmem>> -> memref<8xi32, #tpu.memory_space<vmem>>
      %dma_wait3A_166 = arith.constant 0 : i32
      %dma_wait3A_167 = arith.constant 0 : i32
      %dma_wait3A_168 = tpu.memref_slice %arg2[%dma_wait3A_166, %dma_wait3A_167] : memref<8192x2048xf32, #tpu.memory_space<hbm>> -> memref<8192x2048xf32, #tpu.memory_space<hbm>>
      tpu.wait_indirect_dma semaphore(%arg10 : memref<!tpu.dma_semaphore, #tpu.memory_space<semaphore_mem>>) src(%dma_wait3A_168 : memref<8192x2048xf32, #tpu.memory_space<hbm>>) dst(%dma_wait3A_164 : memref<8x2048xf32, #tpu.memory_space<vmem>>)
      %mul3A_169 = arith.constant 8 : i32
      %mul3A_170 = arith.muli %add3A_157, %mul3A_169 : i32
      %add3A_171 = arith.addi %mul3A_2, %mul3A_170 : i32
      %run_scoped3A_172 = arith.constant 3 : i32
      "tpu.region"() ({
        %run_scoped3A_180 = tpu.sem_alloc : memref<!tpu.dma_semaphore, #tpu.memory_space<semaphore_mem>>
        %dma_start3A_181 = arith.constant 0 : i32
        %dma_start3A_182 = arith.constant 0 : i32
        %dma_start3A_183 = tpu.memref_slice %arg6[%run_scoped3A_172, %dma_start3A_181, %dma_start3A_182] : memref<4x8x2048xf32, #tpu.memory_space<vmem>> -> memref<1x8x2048xf32, #tpu.memory_space<vmem>>
        %dma_start3A_184 = tpu.memref_squeeze %dma_start3A_183 : memref<1x8x2048xf32, #tpu.memory_space<vmem>> -> memref<8x2048xf32, #tpu.memory_space<vmem>>
        %dma_start3A_185 = arith.constant 0 : i32
        %dma_start3A_186 = tpu.memref_slice %arg4[%add3A_171, %dma_start3A_185] : memref<16384x2048xf32, #tpu.memory_space<hbm>> -> memref<8x2048xf32, #tpu.memory_space<hbm>>
        %dma_start3A_187 = arith.constant 0 : i32
        %dma_start3A_188 = tpu.memref_slice %arg4[%add3A_171, %dma_start3A_187] : memref<16384x2048xf32, #tpu.memory_space<hbm>> -> memref<8x2048xf32, #tpu.memory_space<hbm>>
        %dma_start3A_189 = arith.constant 0 : i32
        %dma_start3A_190 = arith.constant 0 : i32
        %dma_start3A_191 = tpu.memref_slice %arg6[%run_scoped3A_172, %dma_start3A_189, %dma_start3A_190] : memref<4x8x2048xf32, #tpu.memory_space<vmem>> -> memref<1x8x2048xf32, #tpu.memory_space<vmem>>
        %dma_start3A_192 = tpu.memref_squeeze %dma_start3A_191 : memref<1x8x2048xf32, #tpu.memory_space<vmem>> -> memref<8x2048xf32, #tpu.memory_space<vmem>>
        tpu.enqueue_dma source(%dma_start3A_192 : memref<8x2048xf32, #tpu.memory_space<vmem>>) target(%dma_start3A_188 : memref<8x2048xf32, #tpu.memory_space<hbm>>) target_semaphore(%run_scoped3A_180 : memref<!tpu.dma_semaphore, #tpu.memory_space<semaphore_mem>>)
        %dma_wait3A_193 = arith.constant 0 : i32
        %dma_wait3A_194 = arith.constant 0 : i32
        %dma_wait3A_195 = tpu.memref_slice %arg6[%run_scoped3A_172, %dma_wait3A_193, %dma_wait3A_194] : memref<4x8x2048xf32, #tpu.memory_space<vmem>> -> memref<1x8x2048xf32, #tpu.memory_space<vmem>>
        %dma_wait3A_196 = tpu.memref_squeeze %dma_wait3A_195 : memref<1x8x2048xf32, #tpu.memory_space<vmem>> -> memref<8x2048xf32, #tpu.memory_space<vmem>>
        %dma_wait3A_197 = arith.constant 0 : i32
        %dma_wait3A_198 = tpu.memref_slice %arg4[%add3A_171, %dma_wait3A_197] : memref<16384x2048xf32, #tpu.memory_space<hbm>> -> memref<8x2048xf32, #tpu.memory_space<hbm>>
        %dma_wait3A_199 = arith.constant 0 : i32
        %dma_wait3A_200 = tpu.memref_slice %arg4[%add3A_171, %dma_wait3A_199] : memref<16384x2048xf32, #tpu.memory_space<hbm>> -> memref<8x2048xf32, #tpu.memory_space<hbm>>
        %dma_wait3A_201 = arith.constant 0 : i32
        %dma_wait3A_202 = arith.constant 0 : i32
        %dma_wait3A_203 = tpu.memref_slice %arg6[%run_scoped3A_172, %dma_wait3A_201, %dma_wait3A_202] : memref<4x8x2048xf32, #tpu.memory_space<vmem>> -> memref<1x8x2048xf32, #tpu.memory_space<vmem>>
        %dma_wait3A_204 = tpu.memref_squeeze %dma_wait3A_203 : memref<1x8x2048xf32, #tpu.memory_space<vmem>> -> memref<8x2048xf32, #tpu.memory_space<vmem>>
        tpu.wait_dma2 semaphore(%run_scoped3A_180 : memref<!tpu.dma_semaphore, #tpu.memory_space<semaphore_mem>>) src(%dma_wait3A_204 : memref<8x2048xf32, #tpu.memory_space<vmem>>) dst(%dma_wait3A_200 : memref<8x2048xf32, #tpu.memory_space<hbm>>)
        tpu.yield
      }) : () -> ()
      %add3A_173 = arith.constant 4 : i32
      %add3A_174 = arith.addi %add3A_157, %add3A_173 : i32
      %lt3A_175 = arith.constant 64 : i32
      %lt3A_176 = arith.cmpi slt, %add3A_174, %lt3A_175 : i32
      %convert_element_type3A_177 = arith.extui %lt3A_176 : i1 to i32
      %cond3A_178 = arith.constant 0 : i32
      %cond3A_179 = arith.cmpi ne, %convert_element_type3A_177, %cond3A_178 : i32
      scf.if %cond3A_179 {
        %mul3A_180 = arith.constant 8 : i32
        %mul3A_181 = arith.muli %add3A_174, %mul3A_180 : i32
        %dma_start3A_182 = arith.constant 3 : i32
        %dma_start3A_183 = arith.constant 0 : i32
        %dma_start3A_184 = arith.constant 0 : i32
        %dma_start3A_185 = tpu.memref_slice %arg6[%dma_start3A_182, %dma_start3A_183, %dma_start3A_184] : memref<4x8x2048xf32, #tpu.memory_space<vmem>> -> memref<1x8x2048xf32, #tpu.memory_space<vmem>>
        %dma_start3A_186 = tpu.memref_squeeze %dma_start3A_185 : memref<1x8x2048xf32, #tpu.memory_space<vmem>> -> memref<8x2048xf32, #tpu.memory_space<vmem>>
        %dma_start3A_187 = tpu.memref_slice %arg5[%mul3A_181] : memref<512xi32, #tpu.memory_space<vmem>> -> memref<8xi32, #tpu.memory_space<vmem>>
        %dma_start3A_188 = arith.constant 0 : i32
        %dma_start3A_189 = arith.constant 0 : i32
        %dma_start3A_190 = tpu.memref_slice %arg2[%dma_start3A_188, %dma_start3A_189] : memref<8192x2048xf32, #tpu.memory_space<hbm>> -> memref<8192x2048xf32, #tpu.memory_space<hbm>>
        tpu.enqueue_indirect_dma source(%dma_start3A_190 : memref<8192x2048xf32, #tpu.memory_space<hbm>>) target(%dma_start3A_186 : memref<8x2048xf32, #tpu.memory_space<vmem>>) offsets(%dma_start3A_187 : memref<8xi32, #tpu.memory_space<vmem>>) semaphore(%arg10 : memref<!tpu.dma_semaphore, #tpu.memory_space<semaphore_mem>>)
      } else {
      }
    }
    %scan3A_78 = arith.constant 16 : i32
    return
  }
}

</mosaic_0001>

<sc_bundles>
// kernel: kernel.3.cloned.1.call-start
scs
__scs_entry_jumppad:
0x0: {  	(pc) =	sbr.rel $0x88, $3  }
0x1: {  	(tag) =	ssettag $0x0;
	lr =	simm.s32 $0x1  }
0x2: {  	[smem:$0x3F9F] =	sst lr;
	_ =	strace $0xD0000000  }
0x3: {  	_ = 	snop  }
0x4: {  	_ = 	snop  }
0x5: {  	_ = 	snop  }
0x6: {  	_ = 	snop  }
0x7: {  	_ = 	snop  }
__scs_overlays_trampoline_lowered:
0x8: {  	[smem:$0x3FAE] =	sst s0  }
0x9: {  	[smem:$0x3FAF] =	sst s1  }
0xa: {  	[smem:$0x3FB0] =	sst s2  }
0xb: {  	[smem:$0x3FB1] =	sst s3  }
0xc: {  	[smem:$0x3FB2] =	sst s4  }
0xd: {  	[smem:$0x3FB3] =	sst s5  }
0xe: {  	[smem:$0x3FB4] =	sst s6  }
0xf: {  	[smem:$0x3FB5] =	sst s7  }
0x10: {  	[smem:$0x3FB6] =	sst s8  }
0x11: {  	[smem:$0x3FB7] =	sst s9;
	s0 =	simm.s32 @!p0 $0x0  }
0x12: {  	s1 =	sld [smem:$0x3F9D];
	s0 =	simm.s32 @p0 $0x1  }
0x13: {  	[smem:$0x3FB8] =	sst s0;
	s0 =	simm.s32 @!p1 $0x0  }
0x14: {  	s2 =	sld [smem:$0x3F9C];
	s0 =	simm.s32 @p1 $0x1  }
0x15: {  	[smem:$0x3FB9] =	sst s0;
	s0 =	simm.s32 @!p2 $0x0  }
0x16: {  	s3 =	sld [smem:$0x3FDB];
	s0 =	simm.s32 @p2 $0x1  }
0x17: {  	s4 =	simm.s32 $0x1BF5;
	[smem:$0x3FBB] =	sst s0  }
0x18: {  	s0 =	sld [smem:$0x3F9E];
	_ =	swait.ge [sflag:s4], $0x0  }
0x19: {  	s7 =	sld [smem:$0x3F9F]  }
0x1a: {  	s8 =	sadd.s32 $0xFFFFE003, lr  }
0x1b: {  	s9 =	sadd.s32 $0xFFFFFEF7, lr;
	s5 =	simm.s32 $0xFFFFFFFF;
	p2 =	slt.u32 s8, $0xFFFFF086  }
0x1c: {  	p1 =	slt.u32 s9, $0xF7A;
	s5 =	simm.s32 @!p2 $0x0  }
0x1d: {  	s5 =	simm.s32 @p1 $0x1;
	p0 =	seq.s32 s7, s2  }
0x1e: {  	s7 =	smul.u32 @!p0 $0xF7A, s2;
	p2 =	seq.s32 @!p0 s5, $0x0  }
0x1f: {  	s9 =	smul.u32 $0xF7A, s1;
	s8 =	simm.s32 @!p0 $0x1BF5;
	p2 =	por !p2, p0  }
0x20: {  	[sflag:s8] =	ssyncset.s32 @!p0 $0xFFFFF086;
	s6 =	sadd.s32 @!p0 s3, s7;
	s7 =	simm.s32 @!p0 $0x108  }
0x21: {  	s3 =	sadd.s32 s3, s9;
	s6 =	sadd.s32 @!p0 $0x88, s6;
	s7 =	simm.s32 @p2 $0x1082  }
0x22: {  	[simem:s7], [sflag:s8] =	dma.local @!p0 [hbm:s6], $0xF7A  }
0x23: {  	s9 =	sor.u32 $0xD0000000, s2;
	s6 =	simm.s32 $0x108;
	_ =	swait.ge @!p0 [sflag:s8], $0x0  }
0x24: {  	s3 =	sadd.s32 $0x88, s3;
	s6 =	simm.s32 @!p1 $0x1082;
	[sflag:s4] =	ssyncset.s32 $0xFFFFF086  }
0x25: {  	[simem:s6], [sflag:s4] =	dma.local [hbm:s3], $0xF7A  }
0x26: {  	[smem:$0x3F9F] =	sst s1;
	(tag) =	ssettag s2;
	_ =	strace s9  }
0x27: {  	s1 =	sld [smem:$0x3FAF]  }
0x28: {  	s2 =	sld [smem:$0x3FB0]  }
0x29: {  	s4 =	sld [smem:$0x3FB2]  }
0x2a: {  	p0 =	seq.s32 s5, $0x0;
	s5 =	sld [smem:$0x3FB3]  }
0x2b: {  	s6 =	sld [smem:$0x3FB4]  }
0x2c: {  	s7 =	sld [smem:$0x3FB5]  }
0x2d: {  	s3 =	simm.s32 $0x108;
	s8 =	sld [smem:$0x3FB6]  }
0x2e: {  	s3 =	simm.s32 @!p0 $0x1082;
	s9 =	sld [smem:$0x3FB7]  }
0x2f: {  	lr =	sadd.s32 s0, s3;
	s0 =	sld [smem:$0x3FAE]  }
0x30: {  	s3 =	sld [smem:$0x3FB1]  }
0x31: {  	[smem:$0x3FBA] =	sst s10  }
0x32: {  	s10 =	sld [smem:$0x3FB8];
	_ =	sdelay $0x3  }
0x33: {  	p0 =	seq.s32 s10, $0x1;
	s10 =	sld [smem:$0x3FBA];
	_ =	sdelay $0x3  }
0x34: {  	[smem:$0x3FBA] =	sst s10  }
0x35: {  	s10 =	sld [smem:$0x3FB9];
	_ =	sdelay $0x3  }
0x36: {  	p1 =	seq.s32 s10, $0x1;
	s10 =	sld [smem:$0x3FBA];
	_ =	sdelay $0x3  }
0x37: {  	[smem:$0x3FBA] =	sst s10  }
0x38: {  	s10 =	sld [smem:$0x3FBB]  }
0x39: {  	_ = 	snop;
	(pc) =	sbr.ind lr, $3  }
0x3a: {  	_ = 	snop  }
0x3b: {  	_ = 	snop  }
0x3c: {  	p2 =	seq.s32 s10, $0x1;
	s10 =	sld [smem:$0x3FBA]  }
0x3d: {  	_ =	shalt  }
0x3e: {  	_ =	shalt  }
0x3f: {  	_ =	shalt  }
0x40: {  	_ =	shalt  }
0x41: {  	_ =	shalt  }
0x42: {  	_ =	shalt  }
0x43: {  	_ =	shalt  }
0x44: {  	_ =	shalt  }
0x45: {  	_ =	shalt  }
0x46: {  	_ =	shalt  }
0x47: {  	_ =	shalt  }
0x48: {  	_ =	shalt  }
0x49: {  	_ =	shalt  }
0x4a: {  	_ =	shalt  }
0x4b: {  	_ =	shalt  }
0x4c: {  	_ =	shalt  }
0x4d: {  	_ =	shalt  }
0x4e: {  	_ =	shalt  }
0x4f: {  	_ =	shalt  }
0x50: {  	_ =	shalt  }
0x51: {  	_ =	shalt  }
0x52: {  	_ =	shalt  }
0x53: {  	_ =	shalt  }
0x54: {  	_ =	shalt  }
0x55: {  	_ =	shalt  }
0x56: {  	_ =	shalt  }
0x57: {  	_ =	shalt  }
0x58: {  	_ =	shalt  }
0x59: {  	_ =	shalt  }
0x5a: {  	_ =	shalt  }
0x5b: {  	_ =	shalt  }
0x5c: {  	_ =	shalt  }
0x5d: {  	_ =	shalt  }
0x5e: {  	_ =	shalt  }
0x5f: {  	_ =	shalt  }
0x60: {  	_ =	shalt  }
0x61: {  	_ =	shalt  }
0x62: {  	_ =	shalt  }
0x63: {  	_ =	shalt  }
0x64: {  	_ =	shalt  }
0x65: {  	_ =	shalt  }
0x66: {  	_ =	shalt  }
0x67: {  	_ =	shalt  }
0x68: {  	_ =	shalt  }
0x69: {  	_ =	shalt  }
0x6a: {  	_ =	shalt  }
0x6b: {  	_ =	shalt  }
0x6c: {  	_ =	shalt  }
0x6d: {  	_ =	shalt  }
0x6e: {  	_ =	shalt  }
0x6f: {  	_ =	shalt  }
0x70: {  	_ =	shalt  }
0x71: {  	_ =	shalt  }
0x72: {  	_ =	shalt  }
0x73: {  	_ =	shalt  }
0x74: {  	_ =	shalt  }
0x75: {  	_ =	shalt  }
0x76: {  	_ =	shalt  }
0x77: {  	_ =	shalt  }
0x78: {  	_ =	shalt  }
0x79: {  	_ =	shalt  }
0x7a: {  	_ =	shalt  }
0x7b: {  	_ =	shalt  }
0x7c: {  	_ =	shalt  }
0x7d: {  	_ =	shalt  }
0x7e: {  	_ =	shalt  }
0x7f: {  	_ =	shalt  }
0x80: {  	_ =	shalt  }
0x81: {  	_ =	shalt  }
0x82: {  	_ =	shalt  }
0x83: {  	_ =	shalt  }
0x84: {  	_ =	shalt  }
0x85: {  	_ =	shalt  }
0x86: {  	_ =	shalt  }
0x87: {  	_ =	shalt  }
.Lfunc_end0:
.L_simem_size_0:
called_computation_lowered:
.L_overlay_start_0:
0x88: {  	s2 =	sld [smem:$0x3FD9]  }
0x89: {  	s3 =	sld [smem:$0x3FFE];
	_ =	sdelay $0x1  }
0x8a: {  	s1 =	srdreg.scid  }
0x8b: {  	s0 =	sand.u32 $0x1, s1  }
0x8c: {  	s18 =	sshll.u32 s0, $0xA;
	s2 =	sadd.s32 s3, s2  }
0x8d: {  	s2 =	sadd.s32 s2, s18  }
0x8e: {  	[smem:$0x3FC6] =	sst s2  }
0x8f: {  	_ = 	snop  }
0x90: {  	s2 =	sld [smem:$0x3FC9]  }
0x91: {  	s19 =	sld [smem:$0x3FC8]  }
0x92: {  	s4 =	sld [smem:$0x3FD0];
	(tm) =	ssettm $0x1  }
0x93: {  	s5 =	sld [smem:$0x3FFB];
	_ =	sdelay $0x3  }
0x94: {  	_ =	strace s5  }
0x95: {  	s5 =	sld [smem:$0x3FFC];
	_ =	sdelay $0x3  }
0x96: {  	_ =	strace s5  }
0x97: {  	s5 =	sld [smem:$0x3FFD];
	_ =	sdelay $0x3  }
0x98: {  	_ =	strace s5  }
0x99: {  	_ =	strace $0x8FFFFFFF  }
0x9a: {  	s20 =	sld [smem:$0x3FDB];
	_ =	sdelay $0x1  }
0x9b: {  	s6 =	simm.s32 $_scs_section_size  }
0x9c: {  	s7 =	simm.s32 $_size__tile_overlayer_lowered;
	s8 =	simm.s32 $_tile_overlayer_lowered  }
0x9d: {  	s23 =	simm.s32 $0x1BFF;
	s22 =	sshll.u32 s8, $0x1;
	s5 =	sadd.s32 s6, s20  }
0x9e: {  	s9 =	simm.s32 $0x0;
	s21 =	sshll.u32 s7, $0x1;
	s7 =	sadd.s32 s22, s5  }
0x9f: {  	[timem:s9], [sflag:s23] =	dma.local [hbm:s7], s21  }
0xa0: {  	_ =	swait.ge [sflag:s23], s21  }
0xa1: {  	s6 =	ssub.s32 $0x0, s21;
	[sflag:s23] =	ssyncset.done $0x0  }
0xa2: {  	[sflag:s23] =	ssyncadd.s32 s6;
	_ =	sdelay $0x1  }
0xa3: {  	s24 =	simm.s32 $0x1B8B  }
0xa4: {  	_ =	swait.ge [sflag:s24], $0x1  }
0xa5: {  	[sflag:s24] =	ssyncset.done $0x0  }
0xa6: {  	s25 =	simm.s32 $0x1B8E;
	[sflag:s24] =	ssyncadd.s32 $0xFFFFFFFF  }
0xa7: {  	s26 =	simm.s32 $execute0_lowered;
	[smem:$0x3FD2] =	sst s25  }
0xa8: {  	s6 =	sshll.u32 s26, $0x1;
	_ =	strace $0x80000046;
	[dreg:$0x1] =	wrdreg $0xFFFFFFFF  }
0xa9: {  	s28 =	simm.s32 $_size_execute0_lowered;
	s5 =	sadd.s32 s5, s6;
	[dreg:$0x0] =	wrdreg $0x0  }
0xaa: {  	s6 =	sshll.u32 s28, $0x1;
	[dreg:$0x2] =	wrdreg s5  }
0xab: {  	[dreg:$0x3] =	wrdreg s6  }
0xac: {  	[dreg:$0x4] =	wrdreg $0xC0  }
0xad: {  	_ =	task [dreg:s9], $0x5FFFF  }
0xae: {  	[dreg:$0x1] =	wrdreg $0xFFFFFFFF  }
0xaf: {  	[dreg:$0x0] =	wrdreg $0x60  }
0xb0: {  	[dreg:$0x2] =	wrdreg s19  }
0xb1: {  	[dreg:$0x3] =	wrdreg s2  }
0xb2: {  	[dreg:$0x4] =	wrdreg s4  }
0xb3: {  	[dreg:$0x5] =	wrdreg $0x9  }
0xb4: {  	_ =	task.clear_ibuf [dreg:s9], $0x6FFFF;
	_ =	strace $0x90000046  }
0xb5: {  	s29 =	simm.s32 $0x9;
	_ =	strace $0x80000048  }
0xb6: {  	_ =	swait.ge [sflag:s29], $0x1  }
0xb7: {  	[sflag:s29] =	ssyncadd.s32 $0xFFFFFFFF  }
0xb8: {  	_ =	strace $0x90000048  }
0xb9: {  	_ =	sfence  }
0xba: {  	s30 =	sld [smem:$0x0];
	_ =	sdelay $0x2  }
0xbb: {  	s31 =	sshll.u32 s1, $0xD;
	s1 =	sshrl.u32 s1, $0x2  }
0xbc: {  	s3 =	sand.u32 $0x4000, s31;
	s1 =	sadd.s32 s1, s30  }
0xbd: {  	s0 =	sor.u32 s3, s0;
	s1 =	sshll.u32 s1, $0x11  }
0xbe: {  	s0 =	sor.u32 s1, s0  }
0xbf: {  	s0 =	sadd.s32 $0x8F2B, s0  }
0xc0: {  	[sflag:s0] =	ssyncadd.remote.s32 $0x1  }
0xc1: {  	_ =	sfence.sel $0xFFFF  }
0xc2: {  	[dreg:$0x0] =	wrdreg $0xFFFFFFFF;
	(pc) =	sbr.abs _section_cstart, $3  }
0xc3: {  	[dreg:$0x1] =	wrdreg $0xFFFFFFFF  }
0xc4: {  	_ =	task.clear_ibuf [dreg:s9], $0x2FFFF;
	_ =	strace $0x9FFFFFFF  }
0xc5: {  	(tm) =	ssettm $0x7FFFFFFF  }
tec
execute0_lowered:
.L_overlay_start_1:
0x0: {  	(tag) =	ssettag $0x1  }
0x1: {  	s1 =	rddreg [dreg:$0x0]  }
0x2: {  	s0 =	rddreg [dreg:$0x1]  }
0x3: {  	s2 =	rddreg [dreg:$0x2];
	s3 =	simm.s32 $0x0  }
0x4: {  	s4 =	srdreg.scid;
	s10 =	stileid.u32;
	s15 =	simm.s32 $0x200  }
0x5: {  	s16 =	simm.s32 $0x5;
	s28 =	simm.s32 $0xDA00;
	s29 =	simm.s32 $0xE200  }
0x6: {  	s30 =	simm.s32 $0xEA00;
	s31 =	simm.s32 $0xF200;
	s14 =	simm.s32 $0x1  }
0x7: {  	s17 =	simm.s32 $0x2;
	s18 =	simm.s32 $0x3;
	s19 =	simm.s32 $0x4  }
0x8: {  	[smem:$0x7FF] =	sst s3;
	s4 =	sand.u32 $0x1, s4;
	s5 =	sshll.u32 s10, $0x9  }
0x9: {  	s7 =	sshll.u32 s10, $0x2;
	s9 =	sadd.s32 $0x500, s1;
	s24 =	sshll.u32 s10, $0x12  }
0xa: {  	s10 =	sadd.s32 $0x600, s1;
	s11 =	sadd.s32 $0x700, s1;
	s6 =	sshll.u32 s4, $0x8  }
0xb: {  	s8 =	ssub.s32 $0x2, s4;
	s22 =	sand.u32 $0x30, s7;
	_ =	strace $0x80000047  }
0xc: {  	s7 =	sadd.s32 $0x300, s1;
	s25 =	sshll.u32 s4, $0x11;
	s5 =	sor.u32 s6, s5  }
0xd: {  	s23 =	sshrl.u32 s8, $0x1;
	s0 =	sadd.s32 s0, s22;
	s6 =	sadd.s32 $0x200, s1  }
0xe: {  	s5 =	sand.u32 $0x700, s5;
	s12 =	ssub.s32 s8, s23;
	s8 =	sadd.s32 $0x400, s1  }
.Ltmp0:
0xf: {  	s23 =	simm.s32 $0xC200;
	s0 =	sadd.s32 s5, s0;
	(pc) =	sbr.rel .LBB2_1-.Ltmp0, $4  }
0x10: {  	s5 =	sadd.s32 $0x100, s1;
	s26 =	smax.u32 s12, $0x1;
	[dreg:$0x4] =	wrdreg s0  }
0x11: {  	v0 =	vlaneseq.u32;
	s12 =	simm.s32 $0x0;
	s0 =	sadd.s32 s24, s2;
	[dreg:$0x5] =	wrdreg s26  }
0x12: {  	v1 =	vshrl.u32 v0, $0x3;
	s24 =	simm.s32 $0x4200;
	s2 =	simm.s32 $0x8200;
	s26 =	simm.s32 $0xD200  }
0x13: {  	vm0 =	vmmov $0xffff;
	v0 =	vand.u32 $0x7, v0;
	v1 =	vmul.u32 $0x8, v1;
	s13 =	sadd.s32 s25, s0;
	s25 =	simm.s32 $0xCA00;
	s0 =	simm.s32 $0xFA00  }
.LBB2_4:
0x14: {  	s12 =	rddreg [dreg:$0x6]  }
0x15: {  	s4 =	rddreg [dreg:$0x5];
	s12 =	sadd.s32 $0x1, s12  }
0x16: {  	p0 =	sne.s32 s12, s4  }
.Ltmp1:
0x17: {  	_ = 	snop;
	(pc) =	sbr.rel @!p0 .LBB2_5-.Ltmp1, $1  }
0x18: {  	_ =	sdelay $0x3  }
.LBB2_1:
0x19: {  	[dreg:$0x6] =	wrdreg s12  }
0x1a: {  	s4 =	rddreg [dreg:$0x4];
	s21 =	simm.s32 $0x80  }
0x1b: {  	[tilespmem:s3], [sflag:$0x5] =	stream.strided.gather [hbm4b:s4+s21], $0x200, s15, s21, $0x38;
	[tilespmem:$0x10200] =	vst v63  }
0x1c: {  	_ =	swait.ge [sflag:s16], $0x200  }
0x1d: {  	[sflag:s16] =	ssyncset.done $0x0  }
0x1e: {  	[sflag:s16] =	ssyncadd.s32 $0xFFFFFE00  }
0x1f: {  	v2 =	vld.msk [tilespmem:$0x0], $0xff;
	_ =	sdelay $0x4  }
0x20: {  	v3 =	vshll.u32 v2, $0x4  }
0x21: {  	v2 =	vand.u32 $0x7, v2;
	v3 =	vand.u32 $0xFFFFFF80, v3  }
0x22: {  	v2 =	vor.u32 v2, v3  }
0x23: {  	v2 =	vperm.xlane v2, v0;
	_ =	sdelay $0x1  }
0x24: {  	v2 =	vadd.s32 v1, v2;
	_ =	sdelay $0x4  }
0x25: {  	[tilespmem:s15], [sflag:$0x1] =	stream.indirect_vreg.gather [hbm4b:s1+s3], $0x80, v2, vm0, $0xb8;
	[tilespmem:$0x10200] =	vst v63  }
0x26: {  	s22 =	simm.s32 $0xA00  }
0x27: {  	[tilespmem:s22], [sflag:$0x1] =	stream.indirect_vreg.gather [hbm4b:s5+s3], $0x80, v2, vm0, $0xb8;
	[tilespmem:$0x10200] =	vst v63  }
0x28: {  	s12 =	simm.s32 $0x1200  }
0x29: {  	[tilespmem:s12], [sflag:$0x1] =	stream.indirect_vreg.gather [hbm4b:s6+s3], $0x80, v2, vm0, $0xb8;
	[tilespmem:$0x10200] =	vst v63  }
0x2a: {  	s20 =	simm.s32 $0x1A00  }
0x2b: {  	[tilespmem:s20], [sflag:$0x1] =	stream.indirect_vreg.gather [hbm4b:s7+s3], $0x80, v2, vm0, $0xb8;
	[tilespmem:$0x10200] =	vst v63  }
0x2c: {  	s21 =	simm.s32 $0x2200  }
0x2d: {  	[tilespmem:s21], [sflag:$0x1] =	stream.indirect_vreg.gather [hbm4b:s8+s3], $0x80, v2, vm0, $0xb8;
	[tilespmem:$0x10200] =	vst v63  }
0x2e: {  	s22 =	simm.s32 $0x2A00  }
0x2f: {  	[tilespmem:s22], [sflag:$0x1] =	stream.indirect_vreg.gather [hbm4b:s9+s3], $0x80, v2, vm0, $0xb8;
	[tilespmem:$0x10200] =	vst v63  }
0x30: {  	s12 =	simm.s32 $0x3200  }
0x31: {  	[tilespmem:s12], [sflag:$0x1] =	stream.indirect_vreg.gather [hbm4b:s10+s3], $0x80, v2, vm0, $0xb8;
	[tilespmem:$0x10200] =	vst v63  }
0x32: {  	s20 =	simm.s32 $0x3A00  }
0x33: {  	[tilespmem:s20], [sflag:$0x1] =	stream.indirect_vreg.gather [hbm4b:s11+s3], $0x80, v2, vm0, $0xb8;
	[tilespmem:$0x10200] =	vst v63  }
0x34: {  	v2 =	vld.msk [tilespmem:$0x8], $0xff;
	_ =	sdelay $0x4  }
0x35: {  	v3 =	vshll.u32 v2, $0x4  }
0x36: {  	v2 =	vand.u32 $0x7, v2;
	v3 =	vand.u32 $0xFFFFFF80, v3  }
0x37: {  	v2 =	vor.u32 v2, v3  }
0x38: {  	v2 =	vperm.xlane v2, v0;
	_ =	sdelay $0x1  }
0x39: {  	v2 =	vadd.s32 v1, v2;
	_ =	sdelay $0x4  }
0x3a: {  	[tilespmem:s24], [sflag:$0x2] =	stream.indirect_vreg.gather [hbm4b:s1+s3], $0x80, v2, vm0, $0xb8;
	[tilespmem:$0x10200] =	vst v63  }
0x3b: {  	s21 =	simm.s32 $0x4A00  }
0x3c: {  	[tilespmem:s21], [sflag:$0x2] =	stream.indirect_vreg.gather [hbm4b:s5+s3], $0x80, v2, vm0, $0xb8;
	[tilespmem:$0x10200] =	vst v63  }
0x3d: {  	s22 =	simm.s32 $0x5200  }
0x3e: {  	[tilespmem:s22], [sflag:$0x2] =	stream.indirect_vreg.gather [hbm4b:s6+s3], $0x80, v2, vm0, $0xb8;
	[tilespmem:$0x10200] =	vst v63  }
0x3f: {  	s12 =	simm.s32 $0x5A00  }
0x40: {  	[tilespmem:s12], [sflag:$0x2] =	stream.indirect_vreg.gather [hbm4b:s7+s3], $0x80, v2, vm0, $0xb8;
	[tilespmem:$0x10200] =	vst v63  }
0x41: {  	s20 =	simm.s32 $0x6200  }
0x42: {  	[tilespmem:s20], [sflag:$0x2] =	stream.indirect_vreg.gather [hbm4b:s8+s3], $0x80, v2, vm0, $0xb8;
	[tilespmem:$0x10200] =	vst v63  }
0x43: {  	s21 =	simm.s32 $0x6A00  }
0x44: {  	[tilespmem:s21], [sflag:$0x2] =	stream.indirect_vreg.gather [hbm4b:s9+s3], $0x80, v2, vm0, $0xb8;
	[tilespmem:$0x10200] =	vst v63  }
0x45: {  	s22 =	simm.s32 $0x7200  }
0x46: {  	[tilespmem:s22], [sflag:$0x2] =	stream.indirect_vreg.gather [hbm4b:s10+s3], $0x80, v2, vm0, $0xb8;
	[tilespmem:$0x10200] =	vst v63  }
0x47: {  	s12 =	simm.s32 $0x7A00  }
0x48: {  	[tilespmem:s12], [sflag:$0x2] =	stream.indirect_vreg.gather [hbm4b:s11+s3], $0x80, v2, vm0, $0xb8;
	[tilespmem:$0x10200] =	vst v63  }
0x49: {  	v2 =	vld.msk [tilespmem:$0x10], $0xff;
	_ =	sdelay $0x4  }
0x4a: {  	v3 =	vshll.u32 v2, $0x4  }
0x4b: {  	v2 =	vand.u32 $0x7, v2;
	v3 =	vand.u32 $0xFFFFFF80, v3  }
0x4c: {  	v2 =	vor.u32 v2, v3  }
0x4d: {  	v2 =	vperm.xlane v2, v0;
	_ =	sdelay $0x1  }
0x4e: {  	v2 =	vadd.s32 v1, v2;
	_ =	sdelay $0x4  }
0x4f: {  	[tilespmem:s2], [sflag:$0x3] =	stream.indirect_vreg.gather [hbm4b:s1+s3], $0x80, v2, vm0, $0xb8;
	[tilespmem:$0x10200] =	vst v63  }
0x50: {  	s20 =	simm.s32 $0x8A00  }
0x51: {  	[tilespmem:s20], [sflag:$0x3] =	stream.indirect_vreg.gather [hbm4b:s5+s3], $0x80, v2, vm0, $0xb8;
	[tilespmem:$0x10200] =	vst v63  }
0x52: {  	s21 =	simm.s32 $0x9200  }
0x53: {  	[tilespmem:s21], [sflag:$0x3] =	stream.indirect_vreg.gather [hbm4b:s6+s3], $0x80, v2, vm0, $0xb8;
	[tilespmem:$0x10200] =	vst v63  }
0x54: {  	s22 =	simm.s32 $0x9A00  }
0x55: {  	[tilespmem:s22], [sflag:$0x3] =	stream.indirect_vreg.gather [hbm4b:s7+s3], $0x80, v2, vm0, $0xb8;
	[tilespmem:$0x10200] =	vst v63  }
0x56: {  	s12 =	simm.s32 $0xA200  }
0x57: {  	[tilespmem:s12], [sflag:$0x3] =	stream.indirect_vreg.gather [hbm4b:s8+s3], $0x80, v2, vm0, $0xb8;
	[tilespmem:$0x10200] =	vst v63  }
0x58: {  	s20 =	simm.s32 $0xAA00  }
0x59: {  	[tilespmem:s20], [sflag:$0x3] =	stream.indirect_vreg.gather [hbm4b:s9+s3], $0x80, v2, vm0, $0xb8;
	[tilespmem:$0x10200] =	vst v63  }
0x5a: {  	s21 =	simm.s32 $0xB200  }
0x5b: {  	[tilespmem:s21], [sflag:$0x3] =	stream.indirect_vreg.gather [hbm4b:s10+s3], $0x80, v2, vm0, $0xb8;
	[tilespmem:$0x10200] =	vst v63  }
0x5c: {  	s22 =	simm.s32 $0xBA00  }
0x5d: {  	[tilespmem:s22], [sflag:$0x3] =	stream.indirect_vreg.gather [hbm4b:s11+s3], $0x80, v2, vm0, $0xb8;
	[tilespmem:$0x10200] =	vst v63  }
0x5e: {  	v2 =	vld.msk [tilespmem:$0x18], $0xff;
	_ =	sdelay $0x4  }
0x5f: {  	v3 =	vshll.u32 v2, $0x4  }
0x60: {  	v2 =	vand.u32 $0x7, v2;
	v3 =	vand.u32 $0xFFFFFF80, v3  }
0x61: {  	v2 =	vor.u32 v2, v3  }
0x62: {  	v2 =	vperm.xlane v2, v0;
	_ =	sdelay $0x1  }
0x63: {  	v2 =	vadd.s32 v1, v2;
	_ =	sdelay $0x4  }
0x64: {  	[tilespmem:s23], [sflag:$0x4] =	stream.indirect_vreg.gather [hbm4b:s1+s3], $0x80, v2, vm0, $0xb8;
	[tilespmem:$0x10200] =	vst v63  }
0x65: {  	_ = 	snop  }
0x66: {  	[tilespmem:s25], [sflag:$0x4] =	stream.indirect_vreg.gather [hbm4b:s5+s3], $0x80, v2, vm0, $0xb8;
	[tilespmem:$0x10200] =	vst v63  }
0x67: {  	_ = 	snop  }
0x68: {  	[tilespmem:s26], [sflag:$0x4] =	stream.indirect_vreg.gather [hbm4b:s6+s3], $0x80, v2, vm0, $0xb8;
	[tilespmem:$0x10200] =	vst v63  }
0x69: {  	_ = 	snop  }
0x6a: {  	[tilespmem:s28], [sflag:$0x4] =	stream.indirect_vreg.gather [hbm4b:s7+s3], $0x80, v2, vm0, $0xb8;
	[tilespmem:$0x10200] =	vst v63  }
0x6b: {  	_ = 	snop  }
0x6c: {  	[tilespmem:s29], [sflag:$0x4] =	stream.indirect_vreg.gather [hbm4b:s8+s3], $0x80, v2, vm0, $0xb8;
	[tilespmem:$0x10200] =	vst v63  }
0x6d: {  	_ = 	snop  }
0x6e: {  	[tilespmem:s30], [sflag:$0x4] =	stream.indirect_vreg.gather [hbm4b:s9+s3], $0x80, v2, vm0, $0xb8;
	[tilespmem:$0x10200] =	vst v63  }
0x6f: {  	_ = 	snop  }
0x70: {  	[tilespmem:s31], [sflag:$0x4] =	stream.indirect_vreg.gather [hbm4b:s10+s3], $0x80, v2, vm0, $0xb8;
	[tilespmem:$0x10200] =	vst v63  }
0x71: {  	s21 =	simm.s32 $0x38;
	s22 =	simm.s32 $0x0  }
0x72: {  	[tilespmem:s0], [sflag:$0x4] =	stream.indirect_vreg.gather [hbm4b:s11+s3], $0x80, v2, vm0, $0xb8;
	[tilespmem:$0x10200] =	vst v63  }
.LBB2_2:
0x73: {  	_ =	swait.ge [sflag:s14], $0x4000  }
0x74: {  	[sflag:s14] =	ssyncset.done $0x0  }
0x75: {  	s4 =	sadd.s32 s22, s13;
	[sflag:s14] =	ssyncadd.s32 $0xFFFFC000  }
0x76: {  	[hbm4b:s4+s3] =	stream.linear.scatter [tilespmem:s15], [sflag:$0x5], $0x4000, $0x38;
	[tilespmem:$0x10200] =	vst v63  }
0x77: {  	_ =	swait.ge [sflag:s16], $0x4000  }
0x78: {  	[sflag:s16] =	ssyncset.done $0x0  }
0x79: {  	p0 =	seq.s32 s22, $0x1E000;
	[sflag:s16] =	ssyncadd.s32 $0xFFFFC000  }
0x7a: {  	v2 =	vld.msk @!p0 [tilespmem:s21+$0xFFFFFFE8], $0xff;
	_ =	sdelay $0x4  }
0x7b: {  	v3 =	vshll.u32 @!p0 v2, $0x4  }
0x7c: {  	v4 =	vlaneseq.u32 @!p0;
	v2 =	vand.u32 @!p0 $0x7, v2;
	v3 =	vand.u32 @!p0 $0xFFFFFF80, v3  }
0x7d: {  	v2 =	vor.u32 @!p0 v2, v3;
	v3 =	vand.u32 @!p0 $0x7, v4;
	v4 =	vshrl.u32 @!p0 v4, $0x3  }
0x7e: {  	v2 =	vperm.xlane @!p0 v2, v3;
	v4 =	vmul.u32 @!p0 $0x8, v4;
	_ =	sdelay $0x1  }
0x7f: {  	v2 =	vadd.s32 @!p0 v4, v2;
	_ =	sdelay $0x3  }
0x80: {  	vm1 =	vmmov @!p0 $0xffff;
	s12 =	simm.s32 @!p0 $0x0;
	s20 =	simm.s32 @!p0 $0x200  }
0x81: {  	[tilespmem:s20], [sflag:$0x1] =	stream.indirect_vreg.gather @!p0 [hbm4b:s1+s12], $0x80, v2, vm1, $0xb8;
	[tilespmem:$0x10200] =	vst v63  }
0x82: {  	s20 =	simm.s32 @!p0 $0xA00  }
0x83: {  	[tilespmem:s20], [sflag:$0x1] =	stream.indirect_vreg.gather @!p0 [hbm4b:s5+s12], $0x80, v2, vm1, $0xb8;
	[tilespmem:$0x10200] =	vst v63  }
0x84: {  	s20 =	simm.s32 @!p0 $0x1200  }
0x85: {  	[tilespmem:s20], [sflag:$0x1] =	stream.indirect_vreg.gather @!p0 [hbm4b:s6+s12], $0x80, v2, vm1, $0xb8;
	[tilespmem:$0x10200] =	vst v63  }
0x86: {  	s20 =	simm.s32 @!p0 $0x1A00  }
0x87: {  	[tilespmem:s20], [sflag:$0x1] =	stream.indirect_vreg.gather @!p0 [hbm4b:s7+s12], $0x80, v2, vm1, $0xb8;
	[tilespmem:$0x10200] =	vst v63  }
0x88: {  	s20 =	simm.s32 @!p0 $0x2200  }
0x89: {  	[tilespmem:s20], [sflag:$0x1] =	stream.indirect_vreg.gather @!p0 [hbm4b:s8+s12], $0x80, v2, vm1, $0xb8;
	[tilespmem:$0x10200] =	vst v63  }
0x8a: {  	s20 =	simm.s32 @!p0 $0x2A00  }
0x8b: {  	[tilespmem:s20], [sflag:$0x1] =	stream.indirect_vreg.gather @!p0 [hbm4b:s9+s12], $0x80, v2, vm1, $0xb8;
	[tilespmem:$0x10200] =	vst v63  }
0x8c: {  	s20 =	simm.s32 @!p0 $0x3200  }
0x8d: {  	[tilespmem:s20], [sflag:$0x1] =	stream.indirect_vreg.gather @!p0 [hbm4b:s10+s12], $0x80, v2, vm1, $0xb8;
	[tilespmem:$0x10200] =	vst v63  }
0x8e: {  	s20 =	simm.s32 @!p0 $0x3A00  }
0x8f: {  	[tilespmem:s20], [sflag:$0x1] =	stream.indirect_vreg.gather @!p0 [hbm4b:s11+s12], $0x80, v2, vm1, $0xb8;
	[tilespmem:$0x10200] =	vst v63  }
0x90: {  	_ =	swait.ge [sflag:s17], $0x4000  }
0x91: {  	[sflag:s17] =	ssyncset.done $0x0  }
0x92: {  	s20 =	sadd.s32 $0x800, s4;
	[sflag:s17] =	ssyncadd.s32 $0xFFFFC000  }
0x93: {  	[hbm4b:s20+s3] =	stream.linear.scatter [tilespmem:s24], [sflag:$0x5], $0x4000, $0x38;
	[tilespmem:$0x10200] =	vst v63  }
0x94: {  	_ =	swait.ge [sflag:s16], $0x4000  }
0x95: {  	[sflag:s16] =	ssyncset.done $0x0  }
0x96: {  	[sflag:s16] =	ssyncadd.s32 $0xFFFFC000  }
0x97: {  	v2 =	vld.msk @!p0 [tilespmem:s21+$0xFFFFFFF0], $0xff;
	_ =	sdelay $0x4  }
0x98: {  	v5 =	vshll.u32 @!p0 v2, $0x4  }
0x99: {  	v2 =	vand.u32 @!p0 $0x7, v2;
	v5 =	vand.u32 @!p0 $0xFFFFFF80, v5  }
0x9a: {  	v2 =	vor.u32 @!p0 v2, v5  }
0x9b: {  	v2 =	vperm.xlane @!p0 v2, v3;
	_ =	sdelay $0x1  }
0x9c: {  	v2 =	vadd.s32 @!p0 v4, v2;
	_ =	sdelay $0x3  }
0x9d: {  	s20 =	simm.s32 @!p0 $0x4200  }
0x9e: {  	[tilespmem:s20], [sflag:$0x2] =	stream.indirect_vreg.gather @!p0 [hbm4b:s1+s12], $0x80, v2, vm1, $0xb8;
	[tilespmem:$0x10200] =	vst v63  }
0x9f: {  	s20 =	simm.s32 @!p0 $0x4A00  }
0xa0: {  	[tilespmem:s20], [sflag:$0x2] =	stream.indirect_vreg.gather @!p0 [hbm4b:s5+s12], $0x80, v2, vm1, $0xb8;
	[tilespmem:$0x10200] =	vst v63  }
0xa1: {  	s20 =	simm.s32 @!p0 $0x5200  }
0xa2: {  	[tilespmem:s20], [sflag:$0x2] =	stream.indirect_vreg.gather @!p0 [hbm4b:s6+s12], $0x80, v2, vm1, $0xb8;
	[tilespmem:$0x10200] =	vst v63  }
0xa3: {  	s20 =	simm.s32 @!p0 $0x5A00  }
0xa4: {  	[tilespmem:s20], [sflag:$0x2] =	stream.indirect_vreg.gather @!p0 [hbm4b:s7+s12], $0x80, v2, vm1, $0xb8;
	[tilespmem:$0x10200] =	vst v63  }
0xa5: {  	s20 =	simm.s32 @!p0 $0x6200  }
0xa6: {  	[tilespmem:s20], [sflag:$0x2] =	stream.indirect_vreg.gather @!p0 [hbm4b:s8+s12], $0x80, v2, vm1, $0xb8;
	[tilespmem:$0x10200] =	vst v63  }
0xa7: {  	s20 =	simm.s32 @!p0 $0x6A00  }
0xa8: {  	[tilespmem:s20], [sflag:$0x2] =	stream.indirect_vreg.gather @!p0 [hbm4b:s9+s12], $0x80, v2, vm1, $0xb8;
	[tilespmem:$0x10200] =	vst v63  }
0xa9: {  	s20 =	simm.s32 @!p0 $0x7200  }
0xaa: {  	[tilespmem:s20], [sflag:$0x2] =	stream.indirect_vreg.gather @!p0 [hbm4b:s10+s12], $0x80, v2, vm1, $0xb8;
	[tilespmem:$0x10200] =	vst v63  }
0xab: {  	s20 =	simm.s32 @!p0 $0x7A00  }
0xac: {  	[tilespmem:s20], [sflag:$0x2] =	stream.indirect_vreg.gather @!p0 [hbm4b:s11+s12], $0x80, v2, vm1, $0xb8;
	[tilespmem:$0x10200] =	vst v63  }
0xad: {  	_ =	swait.ge [sflag:s18], $0x4000  }
0xae: {  	[sflag:s18] =	ssyncset.done $0x0  }
0xaf: {  	s20 =	sadd.s32 $0x1000, s4;
	[sflag:s18] =	ssyncadd.s32 $0xFFFFC000  }
0xb0: {  	[hbm4b:s20+s3] =	stream.linear.scatter [tilespmem:s2], [sflag:$0x5], $0x4000, $0x38;
	[tilespmem:$0x10200] =	vst v63  }
0xb1: {  	_ =	swait.ge [sflag:s16], $0x4000  }
0xb2: {  	[sflag:s16] =	ssyncset.done $0x0  }
0xb3: {  	[sflag:s16] =	ssyncadd.s32 $0xFFFFC000  }
0xb4: {  	v2 =	vld.msk @!p0 [tilespmem:s21+$0xFFFFFFF8], $0xff;
	_ =	sdelay $0x4  }
0xb5: {  	v5 =	vshll.u32 @!p0 v2, $0x4  }
0xb6: {  	v2 =	vand.u32 @!p0 $0x7, v2;
	v5 =	vand.u32 @!p0 $0xFFFFFF80, v5  }
0xb7: {  	v2 =	vor.u32 @!p0 v2, v5  }
0xb8: {  	v2 =	vperm.xlane @!p0 v2, v3;
	_ =	sdelay $0x1  }
0xb9: {  	v2 =	vadd.s32 @!p0 v4, v2;
	_ =	sdelay $0x3  }
0xba: {  	s20 =	simm.s32 @!p0 $0x8200  }
0xbb: {  	[tilespmem:s20], [sflag:$0x3] =	stream.indirect_vreg.gather @!p0 [hbm4b:s1+s12], $0x80, v2, vm1, $0xb8;
	[tilespmem:$0x10200] =	vst v63  }
0xbc: {  	s20 =	simm.s32 @!p0 $0x8A00  }
0xbd: {  	[tilespmem:s20], [sflag:$0x3] =	stream.indirect_vreg.gather @!p0 [hbm4b:s5+s12], $0x80, v2, vm1, $0xb8;
	[tilespmem:$0x10200] =	vst v63  }
0xbe: {  	s20 =	simm.s32 @!p0 $0x9200  }
0xbf: {  	[tilespmem:s20], [sflag:$0x3] =	stream.indirect_vreg.gather @!p0 [hbm4b:s6+s12], $0x80, v2, vm1, $0xb8;
	[tilespmem:$0x10200] =	vst v63  }
0xc0: {  	s20 =	simm.s32 @!p0 $0x9A00  }
0xc1: {  	[tilespmem:s20], [sflag:$0x3] =	stream.indirect_vreg.gather @!p0 [hbm4b:s7+s12], $0x80, v2, vm1, $0xb8;
	[tilespmem:$0x10200] =	vst v63  }
0xc2: {  	s20 =	simm.s32 @!p0 $0xA200  }
0xc3: {  	[tilespmem:s20], [sflag:$0x3] =	stream.indirect_vreg.gather @!p0 [hbm4b:s8+s12], $0x80, v2, vm1, $0xb8;
	[tilespmem:$0x10200] =	vst v63  }
0xc4: {  	s20 =	simm.s32 @!p0 $0xAA00  }
0xc5: {  	[tilespmem:s20], [sflag:$0x3] =	stream.indirect_vreg.gather @!p0 [hbm4b:s9+s12], $0x80, v2, vm1, $0xb8;
	[tilespmem:$0x10200] =	vst v63  }
0xc6: {  	s20 =	simm.s32 @!p0 $0xB200  }
0xc7: {  	[tilespmem:s20], [sflag:$0x3] =	stream.indirect_vreg.gather @!p0 [hbm4b:s10+s12], $0x80, v2, vm1, $0xb8;
	[tilespmem:$0x10200] =	vst v63  }
0xc8: {  	s20 =	simm.s32 @!p0 $0xBA00  }
0xc9: {  	[tilespmem:s20], [sflag:$0x3] =	stream.indirect_vreg.gather @!p0 [hbm4b:s11+s12], $0x80, v2, vm1, $0xb8;
	[tilespmem:$0x10200] =	vst v63  }
0xca: {  	_ =	swait.ge [sflag:s19], $0x4000  }
0xcb: {  	[sflag:s19] =	ssyncset.done $0x0  }
.Ltmp2:
0xcc: {  	s4 =	sadd.s32 $0x1800, s4;
	[sflag:s19] =	ssyncadd.s32 $0xFFFFC000;
	(pc) =	sbr.rel @p0 .LBB2_4-.Ltmp2, $4  }
0xcd: {  	[hbm4b:s4+s3] =	stream.linear.scatter [tilespmem:s23], [sflag:$0x5], $0x4000, $0x38;
	[tilespmem:$0x10200] =	vst v63  }
0xce: {  	_ =	swait.ge [sflag:s16], $0x4000  }
0xcf: {  	[sflag:s16] =	ssyncset.done $0x0  }
0xd0: {  	[sflag:s16] =	ssyncadd.s32 $0xFFFFC000  }
0xd1: {  	v2 =	vld.msk [tilespmem:s21+$0x0], $0xff;
	_ =	sdelay $0x4  }
0xd2: {  	v3 =	vshll.u32 v2, $0x4  }
0xd3: {  	v2 =	vand.u32 $0x7, v2;
	v3 =	vand.u32 $0xFFFFFF80, v3  }
0xd4: {  	v2 =	vor.u32 v2, v3  }
0xd5: {  	v2 =	vperm.xlane v2, v0;
	_ =	sdelay $0x1  }
0xd6: {  	v2 =	vadd.s32 v1, v2;
	_ =	sdelay $0x4  }
0xd7: {  	[tilespmem:s23], [sflag:$0x4] =	stream.indirect_vreg.gather [hbm4b:s1+s3], $0x80, v2, vm0, $0xb8;
	[tilespmem:$0x10200] =	vst v63  }
0xd8: {  	_ = 	snop  }
0xd9: {  	[tilespmem:s25], [sflag:$0x4] =	stream.indirect_vreg.gather [hbm4b:s5+s3], $0x80, v2, vm0, $0xb8;
	[tilespmem:$0x10200] =	vst v63  }
0xda: {  	_ = 	snop  }
0xdb: {  	[tilespmem:s26], [sflag:$0x4] =	stream.indirect_vreg.gather [hbm4b:s6+s3], $0x80, v2, vm0, $0xb8;
	[tilespmem:$0x10200] =	vst v63  }
0xdc: {  	_ = 	snop  }
0xdd: {  	[tilespmem:s28], [sflag:$0x4] =	stream.indirect_vreg.gather [hbm4b:s7+s3], $0x80, v2, vm0, $0xb8;
	[tilespmem:$0x10200] =	vst v63  }
0xde: {  	_ = 	snop  }
0xdf: {  	[tilespmem:s29], [sflag:$0x4] =	stream.indirect_vreg.gather [hbm4b:s8+s3], $0x80, v2, vm0, $0xb8;
	[tilespmem:$0x10200] =	vst v63  }
0xe0: {  	_ = 	snop  }
0xe1: {  	[tilespmem:s30], [sflag:$0x4] =	stream.indirect_vreg.gather [hbm4b:s9+s3], $0x80, v2, vm0, $0xb8;
	[tilespmem:$0x10200] =	vst v63  }
.Ltmp3:
0xe2: {  	_ = 	snop;
	(pc) =	sbr.rel .LBB2_2-.Ltmp3, $4  }
0xe3: {  	_ = 	snop  }
0xe4: {  	[tilespmem:s31], [sflag:$0x4] =	stream.indirect_vreg.gather [hbm4b:s10+s3], $0x80, v2, vm0, $0xb8;
	[tilespmem:$0x10200] =	vst v63  }
0xe5: {  	s22 =	sadd.s32 $0x2000, s22;
	s21 =	sadd.s32 $0x20, s21  }
0xe6: {  	[tilespmem:s0], [sflag:$0x4] =	stream.indirect_vreg.gather [hbm4b:s11+s3], $0x80, v2, vm0, $0xb8;
	[tilespmem:$0x10200] =	vst v63  }
.LBB2_5:
0xe7: {  	_ =	sfence.sel $0x180000  }
0xe8: {  	[bflag:$0x0] =	sbarrier.arrive $0xFFFF  }
0xe9: {  	_ =	strace $0x90000047  }
0xea: {  	s0 =	stileid.u32;
	[bflag:$0x2] =	sbarrier.arrive $0xFFFF  }
0xeb: {  	p0 =	sne.s32 s0, $0x0;
	s0 =	rddreg [dreg:$0x3]  }
0xec: {  	s0 =	sadd.s32 @!p0 $0x100000, s0  }
0xed: {  	[sflag:s0] =	ssyncadd.tile.s32 @!p0 $0x1;
	_ =	shalt  }
.Lfunc_end2:
_tile_overlayer_lowered:
.L_overlay_start_2:
0xee: {  	(tag) =	ssettag $0x2  }
0xef: {  	s0 =	rddreg [dreg:$0x0];
	s2 =	stileid.u32  }
0xf0: {  	s1 =	rddreg [dreg:$0x1];
	p0 =	sne.s32 s2, $0x0  }
0xf1: {  	s3 =	rddreg [dreg:$0x2];
	[bflag:$0x3] =	sbarrier.arrive $0xFFFF;
	s2 =	simm.s32 @!p0 $0x1C05  }
0xf2: {  	[timem:s3], [sflag:s2] =	dma.local @!p0 [hbm:s0], s1  }
0xf3: {  	s0 =	simm.s32 @!p0 $0x5  }
0xf4: {  	_ =	swait.ge @!p0 [sflag:s0], s1  }
0xf5: {  	s1 =	ssub.s32 @!p0 $0x0, s1;
	[sflag:s0] =	ssyncset.done @!p0 $0x0  }
0xf6: {  	[sflag:s0] =	ssyncadd.s32 @!p0 s1  }
0xf7: {  	[bflag:$0x3] =	sbarrier.arrive $0xFFFF  }
0xf8: {  	_ =	shalt  }

</sc_bundles>
